<compile_context>
chip_gen: v7x
topology: tpu7x:2x2x1
jax: 0.10.2.dev20260603
libtpu: 0.0.44.dev20260713+nightly
codegen_flags: <defaults>
</compile_context>

<pallas_src>
import functools

import jax
import jax.numpy as jnp
from jax import lax
from jax.experimental import pallas as pl
from jax.experimental.pallas import tpu as pltpu
from jax.experimental.pallas import tpu_sc as plsc

B = 16384
D = 32
NROW = 1000000
NC = 2
NS = 16
NW = NC * NS
BPW = B // NW
LANES = 16
SUBL = 8
DI = D // SUBL
CH = 4
NCHUNK = BPW // CH
RING = 2 * CH


_mesh = plsc.VectorSubcoreMesh(core_axis_name="c", subcore_axis_name="s")


@functools.partial(
    pl.kernel,
    mesh=_mesh,
    compiler_params=pltpu.CompilerParams(needs_layout_passes=False),
    out_type=jax.ShapeDtypeStruct((NW, BPW), jnp.float32),
    scratch_types=[
        pltpu.VMEM((BPW + LANES,), jnp.int32),
        pltpu.VMEM((BPW + LANES,), jnp.int32),
        pltpu.VMEM((BPW + LANES,), jnp.int32),
        pltpu.VMEM((DI * RING, SUBL, 128), jnp.float32),
        pltpu.VMEM((DI * RING, SUBL, 128), jnp.float32),
        pltpu.VMEM((DI * RING, SUBL, 128), jnp.float32),
        pltpu.VMEM((BPW,), jnp.float32),
        pltpu.SemaphoreType.DMA((2,)),
    ],
)
def _bpr_scores_sc(uidx_hbm, pidx_hbm, nidx_hbm, item_hbm, user_hbm,
                   out_hbm, uidx_v, pidx_v, nidx_v, ubuf, pbuf, nbuf,
                   diffs, sem):
    wid = lax.axis_index("s") * NC + lax.axis_index("c")

    pltpu.sync_copy(uidx_hbm.at[wid], uidx_v.at[pl.ds(0, BPW)])
    pltpu.sync_copy(pidx_hbm.at[wid], pidx_v.at[pl.ds(0, BPW)])
    pltpu.sync_copy(nidx_hbm.at[wid], nidx_v.at[pl.ds(0, BPW)])

    def zero(b, carry):
        diffs[pl.ds(b * LANES, LANES)] = jnp.zeros((LANES,), jnp.float32)
        return carry

    lax.fori_loop(0, BPW // LANES, zero, 0)

    def issue_chunk(c):
        par = lax.rem(c, 2)
        ru = uidx_v[pl.ds(c * CH, LANES)]
        rp = pidx_v[pl.ds(c * CH, LANES)]
        rn = nidx_v[pl.ds(c * CH, LANES)]
        for l in range(CH):
            slot = par * CH + l
            for r_vec, tbl, buf in ((ru, user_hbm, ubuf),
                                    (rp, item_hbm, pbuf),
                                    (rn, item_hbm, nbuf)):
                colbase = pl.multiple_of((r_vec[l] >> 7) << 7, 128)
                for i in range(DI):
                    pltpu.async_copy(
                        tbl.at[pl.ds(i, 1), :, pl.ds(colbase, 128)],
                        buf.at[pl.ds(i * RING + slot, 1), :, :],
                        sem.at[par])

    def drain_chunk(c):
        par = lax.rem(c, 2)

        def w(_, carry):
            pltpu.make_async_copy(
                user_hbm.at[pl.ds(0, 1), :, pl.ds(0, 128)],
                ubuf.at[pl.ds(0, 1), :, :], sem.at[par],
            ).wait()
            return carry

        lax.fori_loop(0, 3 * CH * DI, w, 0)

    dv = lax.iota(jnp.int32, LANES)
    jv = dv & 7
    iv_lo = (dv >> 3) * RING
    iv_hi = iv_lo + 2 * RING

    def compute_chunk(c):
        par = lax.rem(c, 2)
        ru = uidx_v[pl.ds(c * CH, LANES)]
        rp = pidx_v[pl.ds(c * CH, LANES)]
        rn = nidx_v[pl.ds(c * CH, LANES)]
        blk = (c * CH) // LANES
        contrib = jnp.zeros((LANES,), jnp.float32)
        for l in range(CH):
            slot = par * CH + l
            s_sum = jnp.float32(0.0)
            for half, ivb in ((0, iv_lo), (1, iv_hi)):
                lu = jnp.full((LANES,), ru[l] & 127, jnp.int32)
                lp = jnp.full((LANES,), rp[l] & 127, jnp.int32)
                ln = jnp.full((LANES,), rn[l] & 127, jnp.int32)
                u = plsc.load_gather(ubuf, [ivb + slot, jv, lu])
                pv = plsc.load_gather(pbuf, [ivb + slot, jv, lp])
                nv = plsc.load_gather(nbuf, [ivb + slot, jv, ln])
                s_sum = s_sum + jnp.sum(u * (pv - nv))
            pos = (c * CH + l) % LANES
            contrib = contrib + jnp.where(dv == pos, s_sum, 0.0)
        sl = pl.ds(blk * LANES, LANES)
        diffs[sl] = diffs[sl] + contrib

    def step(s, carry):
        @pl.when(s < NCHUNK)
        def _():
            issue_chunk(s)

        @pl.when(s > 0)
        def _():
            drain_chunk(s - 1)
            compute_chunk(s - 1)

        return carry

    lax.fori_loop(0, NCHUNK + 1, step, 0)

    pltpu.sync_copy(diffs, out_hbm.at[wid])


def _loss_tc_body(x_ref, o_ref):
    x = x_ref[...]
    ls = jnp.minimum(x, 0.0) - jnp.log1p(jnp.exp(-jnp.abs(x)))
    o_ref[0, 0] = -jnp.sum(ls) / B


_loss_tc = pl.pallas_call(
    _loss_tc_body,
    out_shape=jax.ShapeDtypeStruct((1, 1), jnp.float32),
    out_specs=pl.BlockSpec(memory_space=pltpu.SMEM),
)


def kernel(user_seqs, next_items, neg_items, item_table, user_table):
    uidx = user_seqs.astype(jnp.int32).reshape(NW, BPW)
    pidx = (next_items.astype(jnp.int32) - 1).reshape(NW, BPW)
    nidx = (neg_items.astype(jnp.int32) - 1).reshape(NW, BPW)
    item_v = item_table.T.reshape(DI, SUBL, NROW)
    user_v = user_table.T.reshape(DI, SUBL, NROW)
    diffs = _bpr_scores_sc(uidx, pidx, nidx, item_v, user_v)
    return _loss_tc(diffs.reshape(B // 128, 128))[0, 0]

# --- scband reference (transcript-rebuilt; emitter-appended) ---
"""Pipeline reference for scband-bpr-65060164599881 (READ-ONLY COPY).

The authoritative reference and input builder live on the scoring server;
editing this copy changes nothing except your own understanding.
"""

import jax, jax.numpy as jnp
import numpy as np

N_ITEMS = 1000000
N_USERS = 1000000
D_MODEL = 32
BATCH = 16384


def setup_inputs(seed: int = 0) -> dict:
    key = jax.random.key(seed)
    k1, k2, k3, k4, k5 = jax.random.split(key, 5)
    user_seqs = jax.random.randint(k1, (BATCH,), 0, N_USERS, dtype=jnp.int64) if jax.config.jax_enable_x64 else jax.random.randint(k1, (BATCH,), 0, N_USERS).astype(jnp.int32)
    # next/neg items are 1-indexed in the original module (forward does idx - 1)
    next_items = jax.random.randint(k2, (BATCH,), 1, N_ITEMS + 1)
    neg_items = jax.random.randint(k3, (BATCH,), 1, N_ITEMS + 1)
    item_table = jax.random.normal(k4, (N_ITEMS, D_MODEL), dtype=jnp.float32)
    user_table = jax.random.normal(k5, (N_USERS, D_MODEL), dtype=jnp.float32)
    return {
        "user_seqs": user_seqs,
        "next_items": next_items,
        "neg_items": neg_items,
        "item_table": item_table,
        "user_table": user_table,
    }


def reference(user_seqs, next_items, neg_items, item_table, user_table):
    # embedding lookups (gather)
    user_emb = jnp.take(user_table, user_seqs, axis=0)
    pos_emb = jnp.take(item_table, next_items - 1, axis=0)
    neg_emb = jnp.take(item_table, neg_items - 1, axis=0)
    pos_scores = jnp.sum(user_emb * pos_emb, axis=-1)
    neg_scores = jnp.sum(user_emb * neg_emb, axis=-1)
    # BPRLoss: -mean(logsigmoid(pos - neg))
    loss = -jnp.mean(jax.nn.log_sigmoid(pos_scores - neg_scores))
    return loss

if __name__ == "__main__":
    import jax
    _d = setup_inputs()
    print(jax.jit(kernel)(*tuple(_d.values())))

</pallas_src>

<mosaic_0001>
#map = affine_map<(d0, d1) -> (0, 0)>
#map1 = affine_map<(d0, d1) -> (0, 0, 0)>
module attributes {stable_mosaic.version = 14 : i64} {
  func.func @_bpr_scores_sc(%arg0: i32, %arg1: i32, %arg2: memref<32x512xi32, #tpu.memory_space<hbm>>, %arg3: memref<32x512xi32, #tpu.memory_space<hbm>>, %arg4: memref<32x512xi32, #tpu.memory_space<hbm>>, %arg5: memref<4x8x1000000xf32, #tpu.memory_space<hbm>>, %arg6: memref<4x8x1000000xf32, #tpu.memory_space<hbm>>, %arg7: memref<32x512xf32, #tpu.memory_space<hbm>>, %arg8: memref<528xi32, #tpu.memory_space<vmem>>, %arg9: memref<528xi32, #tpu.memory_space<vmem>>, %arg10: memref<528xi32, #tpu.memory_space<vmem>>, %arg11: memref<32x8x128xf32, #tpu.memory_space<vmem>>, %arg12: memref<32x8x128xf32, #tpu.memory_space<vmem>>, %arg13: memref<32x8x128xf32, #tpu.memory_space<vmem>>, %arg14: memref<512xf32, #tpu.memory_space<vmem>>, %arg15: memref<2x!tpu.dma_semaphore, #tpu.memory_space<semaphore_mem>>) attributes {dimension_semantics = [#tpu.dimension_semantics<core_parallel>, #tpu.dimension_semantics<subcore_parallel>], iteration_bounds = array<i64: 2, 16>, scalar_prefetch = 0 : i64, scratch_operands = 8 : i64, tpu.core_type = #tpu.core_type<sc_vector_subcore>, window_params = [{transform_indices = #map}, {transform_indices = #map}, {transform_indices = #map}, {transform_indices = #map1}, {transform_indices = #map1}, {transform_indices = #map}]} {
    %mul3A = arith.constant 2 : i32
    %mul3A_0 = arith.muli %arg1, %mul3A : i32
    %add3A = arith.addi %mul3A_0, %arg0 : i32
    "tpu.region"() ({
      %run_scoped3A = tpu.sem_alloc : memref<!tpu.dma_semaphore, #tpu.memory_space<semaphore_mem>>
      %dma_start3A = arith.constant 0 : i32
      %dma_start3A_22 = tpu.memref_slice %arg8[%dma_start3A] : memref<528xi32, #tpu.memory_space<vmem>> -> memref<512xi32, #tpu.memory_space<vmem>>
      %dma_start3A_23 = arith.constant 0 : i32
      %dma_start3A_24 = tpu.memref_slice %arg2[%add3A, %dma_start3A_23] : memref<32x512xi32, #tpu.memory_space<hbm>> -> memref<1x512xi32, #tpu.memory_space<hbm>>
      %dma_start3A_25 = tpu.memref_squeeze %dma_start3A_24 : memref<1x512xi32, #tpu.memory_space<hbm>> -> memref<512xi32, #tpu.memory_space<hbm>>
      %dma_start3A_26 = arith.constant 0 : i32
      %dma_start3A_27 = tpu.memref_slice %arg8[%dma_start3A_26] : memref<528xi32, #tpu.memory_space<vmem>> -> memref<512xi32, #tpu.memory_space<vmem>>
      %dma_start3A_28 = arith.constant 0 : i32
      %dma_start3A_29 = tpu.memref_slice %arg2[%add3A, %dma_start3A_28] : memref<32x512xi32, #tpu.memory_space<hbm>> -> memref<1x512xi32, #tpu.memory_space<hbm>>
      %dma_start3A_30 = tpu.memref_squeeze %dma_start3A_29 : memref<1x512xi32, #tpu.memory_space<hbm>> -> memref<512xi32, #tpu.memory_space<hbm>>
      tpu.enqueue_dma source(%dma_start3A_30 : memref<512xi32, #tpu.memory_space<hbm>>) target(%dma_start3A_27 : memref<512xi32, #tpu.memory_space<vmem>>) target_semaphore(%run_scoped3A : memref<!tpu.dma_semaphore, #tpu.memory_space<semaphore_mem>>)
      %dma_wait3A = arith.constant 0 : i32
      %dma_wait3A_31 = tpu.memref_slice %arg8[%dma_wait3A] : memref<528xi32, #tpu.memory_space<vmem>> -> memref<512xi32, #tpu.memory_space<vmem>>
      %dma_wait3A_32 = arith.constant 0 : i32
      %dma_wait3A_33 = tpu.memref_slice %arg2[%add3A, %dma_wait3A_32] : memref<32x512xi32, #tpu.memory_space<hbm>> -> memref<1x512xi32, #tpu.memory_space<hbm>>
      %dma_wait3A_34 = tpu.memref_squeeze %dma_wait3A_33 : memref<1x512xi32, #tpu.memory_space<hbm>> -> memref<512xi32, #tpu.memory_space<hbm>>
      %dma_wait3A_35 = arith.constant 0 : i32
      %dma_wait3A_36 = tpu.memref_slice %arg8[%dma_wait3A_35] : memref<528xi32, #tpu.memory_space<vmem>> -> memref<512xi32, #tpu.memory_space<vmem>>
      %dma_wait3A_37 = arith.constant 0 : i32
      %dma_wait3A_38 = tpu.memref_slice %arg2[%add3A, %dma_wait3A_37] : memref<32x512xi32, #tpu.memory_space<hbm>> -> memref<1x512xi32, #tpu.memory_space<hbm>>
      %dma_wait3A_39 = tpu.memref_squeeze %dma_wait3A_38 : memref<1x512xi32, #tpu.memory_space<hbm>> -> memref<512xi32, #tpu.memory_space<hbm>>
      tpu.wait_dma2 semaphore(%run_scoped3A : memref<!tpu.dma_semaphore, #tpu.memory_space<semaphore_mem>>) src(%dma_wait3A_39 : memref<512xi32, #tpu.memory_space<hbm>>) dst(%dma_wait3A_36 : memref<512xi32, #tpu.memory_space<vmem>>)
      tpu.yield
    }) : () -> ()
    "tpu.region"() ({
      %run_scoped3A = tpu.sem_alloc : memref<!tpu.dma_semaphore, #tpu.memory_space<semaphore_mem>>
      %dma_start3A = arith.constant 0 : i32
      %dma_start3A_22 = tpu.memref_slice %arg9[%dma_start3A] : memref<528xi32, #tpu.memory_space<vmem>> -> memref<512xi32, #tpu.memory_space<vmem>>
      %dma_start3A_23 = arith.constant 0 : i32
      %dma_start3A_24 = tpu.memref_slice %arg3[%add3A, %dma_start3A_23] : memref<32x512xi32, #tpu.memory_space<hbm>> -> memref<1x512xi32, #tpu.memory_space<hbm>>
      %dma_start3A_25 = tpu.memref_squeeze %dma_start3A_24 : memref<1x512xi32, #tpu.memory_space<hbm>> -> memref<512xi32, #tpu.memory_space<hbm>>
      %dma_start3A_26 = arith.constant 0 : i32
      %dma_start3A_27 = tpu.memref_slice %arg9[%dma_start3A_26] : memref<528xi32, #tpu.memory_space<vmem>> -> memref<512xi32, #tpu.memory_space<vmem>>
      %dma_start3A_28 = arith.constant 0 : i32
      %dma_start3A_29 = tpu.memref_slice %arg3[%add3A, %dma_start3A_28] : memref<32x512xi32, #tpu.memory_space<hbm>> -> memref<1x512xi32, #tpu.memory_space<hbm>>
      %dma_start3A_30 = tpu.memref_squeeze %dma_start3A_29 : memref<1x512xi32, #tpu.memory_space<hbm>> -> memref<512xi32, #tpu.memory_space<hbm>>
      tpu.enqueue_dma source(%dma_start3A_30 : memref<512xi32, #tpu.memory_space<hbm>>) target(%dma_start3A_27 : memref<512xi32, #tpu.memory_space<vmem>>) target_semaphore(%run_scoped3A : memref<!tpu.dma_semaphore, #tpu.memory_space<semaphore_mem>>)
      %dma_wait3A = arith.constant 0 : i32
      %dma_wait3A_31 = tpu.memref_slice %arg9[%dma_wait3A] : memref<528xi32, #tpu.memory_space<vmem>> -> memref<512xi32, #tpu.memory_space<vmem>>
      %dma_wait3A_32 = arith.constant 0 : i32
      %dma_wait3A_33 = tpu.memref_slice %arg3[%add3A, %dma_wait3A_32] : memref<32x512xi32, #tpu.memory_space<hbm>> -> memref<1x512xi32, #tpu.memory_space<hbm>>
      %dma_wait3A_34 = tpu.memref_squeeze %dma_wait3A_33 : memref<1x512xi32, #tpu.memory_space<hbm>> -> memref<512xi32, #tpu.memory_space<hbm>>
      %dma_wait3A_35 = arith.constant 0 : i32
      %dma_wait3A_36 = tpu.memref_slice %arg9[%dma_wait3A_35] : memref<528xi32, #tpu.memory_space<vmem>> -> memref<512xi32, #tpu.memory_space<vmem>>
      %dma_wait3A_37 = arith.constant 0 : i32
      %dma_wait3A_38 = tpu.memref_slice %arg3[%add3A, %dma_wait3A_37] : memref<32x512xi32, #tpu.memory_space<hbm>> -> memref<1x512xi32, #tpu.memory_space<hbm>>
      %dma_wait3A_39 = tpu.memref_squeeze %dma_wait3A_38 : memref<1x512xi32, #tpu.memory_space<hbm>> -> memref<512xi32, #tpu.memory_space<hbm>>
      tpu.wait_dma2 semaphore(%run_scoped3A : memref<!tpu.dma_semaphore, #tpu.memory_space<semaphore_mem>>) src(%dma_wait3A_39 : memref<512xi32, #tpu.memory_space<hbm>>) dst(%dma_wait3A_36 : memref<512xi32, #tpu.memory_space<vmem>>)
      tpu.yield
    }) : () -> ()
    "tpu.region"() ({
      %run_scoped3A = tpu.sem_alloc : memref<!tpu.dma_semaphore, #tpu.memory_space<semaphore_mem>>
      %dma_start3A = arith.constant 0 : i32
      %dma_start3A_22 = tpu.memref_slice %arg10[%dma_start3A] : memref<528xi32, #tpu.memory_space<vmem>> -> memref<512xi32, #tpu.memory_space<vmem>>
      %dma_start3A_23 = arith.constant 0 : i32
      %dma_start3A_24 = tpu.memref_slice %arg4[%add3A, %dma_start3A_23] : memref<32x512xi32, #tpu.memory_space<hbm>> -> memref<1x512xi32, #tpu.memory_space<hbm>>
      %dma_start3A_25 = tpu.memref_squeeze %dma_start3A_24 : memref<1x512xi32, #tpu.memory_space<hbm>> -> memref<512xi32, #tpu.memory_space<hbm>>
      %dma_start3A_26 = arith.constant 0 : i32
      %dma_start3A_27 = tpu.memref_slice %arg10[%dma_start3A_26] : memref<528xi32, #tpu.memory_space<vmem>> -> memref<512xi32, #tpu.memory_space<vmem>>
      %dma_start3A_28 = arith.constant 0 : i32
      %dma_start3A_29 = tpu.memref_slice %arg4[%add3A, %dma_start3A_28] : memref<32x512xi32, #tpu.memory_space<hbm>> -> memref<1x512xi32, #tpu.memory_space<hbm>>
      %dma_start3A_30 = tpu.memref_squeeze %dma_start3A_29 : memref<1x512xi32, #tpu.memory_space<hbm>> -> memref<512xi32, #tpu.memory_space<hbm>>
      tpu.enqueue_dma source(%dma_start3A_30 : memref<512xi32, #tpu.memory_space<hbm>>) target(%dma_start3A_27 : memref<512xi32, #tpu.memory_space<vmem>>) target_semaphore(%run_scoped3A : memref<!tpu.dma_semaphore, #tpu.memory_space<semaphore_mem>>)
      %dma_wait3A = arith.constant 0 : i32
      %dma_wait3A_31 = tpu.memref_slice %arg10[%dma_wait3A] : memref<528xi32, #tpu.memory_space<vmem>> -> memref<512xi32, #tpu.memory_space<vmem>>
      %dma_wait3A_32 = arith.constant 0 : i32
      %dma_wait3A_33 = tpu.memref_slice %arg4[%add3A, %dma_wait3A_32] : memref<32x512xi32, #tpu.memory_space<hbm>> -> memref<1x512xi32, #tpu.memory_space<hbm>>
      %dma_wait3A_34 = tpu.memref_squeeze %dma_wait3A_33 : memref<1x512xi32, #tpu.memory_space<hbm>> -> memref<512xi32, #tpu.memory_space<hbm>>
      %dma_wait3A_35 = arith.constant 0 : i32
      %dma_wait3A_36 = tpu.memref_slice %arg10[%dma_wait3A_35] : memref<528xi32, #tpu.memory_space<vmem>> -> memref<512xi32, #tpu.memory_space<vmem>>
      %dma_wait3A_37 = arith.constant 0 : i32
      %dma_wait3A_38 = tpu.memref_slice %arg4[%add3A, %dma_wait3A_37] : memref<32x512xi32, #tpu.memory_space<hbm>> -> memref<1x512xi32, #tpu.memory_space<hbm>>
      %dma_wait3A_39 = tpu.memref_squeeze %dma_wait3A_38 : memref<1x512xi32, #tpu.memory_space<hbm>> -> memref<512xi32, #tpu.memory_space<hbm>>
      tpu.wait_dma2 semaphore(%run_scoped3A : memref<!tpu.dma_semaphore, #tpu.memory_space<semaphore_mem>>) src(%dma_wait3A_39 : memref<512xi32, #tpu.memory_space<hbm>>) dst(%dma_wait3A_36 : memref<512xi32, #tpu.memory_space<vmem>>)
      tpu.yield
    }) : () -> ()
    %scan3A = arith.constant 0 : i32
    %scan3A_1 = arith.constant 0 : i32
    %scan3A_2 = arith.constant 32 : i32
    %scan3A_3 = arith.addi %scan3A_1, %scan3A_2 : i32
    %scan3A_4 = arith.constant 1 : i32
    scf.for %scan3A_22 = %scan3A_1 to %scan3A_3 step %scan3A_4  : i32 {
      %broadcast_in_dim3A = arith.constant 0.000000e+00 : f32
      %broadcast_in_dim3A_23 = vector.broadcast %broadcast_in_dim3A : f32 to vector<16xf32>
      %mul3A_24 = arith.constant 16 : i32
      %mul3A_25 = arith.muli %scan3A_22, %mul3A_24 : i32
      %swap3A = arith.index_cast %mul3A_25 : i32 to index
      %swap3A_26 = tpu.vector_load %arg14[%swap3A] {strides = array<i32>} : memref<512xf32, #tpu.memory_space<vmem>>, vector<16xf32>,
      tpu.vector_store %arg14[%swap3A], %broadcast_in_dim3A_23 {strides = array<i32>} : memref<512xf32, #tpu.memory_space<vmem>>, vector<16xf32>,
    }
    %scan3A_5 = arith.constant 32 : i32
    %iota3A = tpu.iota {dimensions = array<i32: 0>} : vector<16xi32>
    %and3A = arith.constant 7 : i32
    %and3A_6 = vector.broadcast %and3A : i32 to vector<16xi32>
    %and3A_7 = arith.andi %iota3A, %and3A_6 : vector<16xi32>
    %shift_right_arithmetic3A = arith.constant 3 : i32
    %shift_right_arithmetic3A_8 = vector.broadcast %shift_right_arithmetic3A : i32 to vector<16xi32>
    %shift_right_arithmetic3A_9 = arith.shrsi %iota3A, %shift_right_arithmetic3A_8 : vector<16xi32>
    %mul3A_10 = arith.constant 8 : i32
    %mul3A_11 = vector.broadcast %mul3A_10 : i32 to vector<16xi32>
    %mul3A_12 = arith.muli %shift_right_arithmetic3A_9, %mul3A_11 : vector<16xi32>
    %add3A_13 = arith.constant 16 : i32
    %add3A_14 = vector.broadcast %add3A_13 : i32 to vector<16xi32>
    %add3A_15 = arith.addi %mul3A_12, %add3A_14 : vector<16xi32>
    %scan3A_16 = arith.constant 0 : i32
    %scan3A_17 = arith.constant 0 : i32
    %scan3A_18 = arith.constant 129 : i32
    %scan3A_19 = arith.addi %scan3A_17, %scan3A_18 : i32
    %scan3A_20 = arith.constant 1 : i32
    scf.for %scan3A_22 = %scan3A_17 to %scan3A_19 step %scan3A_20  : i32 {
      %lt3A = arith.constant 128 : i32
      %lt3A_23 = arith.cmpi slt, %scan3A_22, %lt3A : i32
      %convert_element_type3A = arith.extui %lt3A_23 : i1 to i32
      %cond3A = arith.constant 0 : i32
      %cond3A_24 = arith.cmpi ne, %convert_element_type3A, %cond3A : i32
      scf.if %cond3A_24 {
        %rem3A = arith.constant 2 : i32
        %rem3A_29 = arith.remsi %scan3A_22, %rem3A : i32
        %mul3A_30 = arith.constant 4 : i32
        %mul3A_31 = arith.muli %scan3A_22, %mul3A_30 : i32
        %get3A = arith.index_cast %mul3A_31 : i32 to index
        %get3A_32 = tpu.vector_load %arg8[%get3A] {strides = array<i32>} : memref<528xi32, #tpu.memory_space<vmem>>, vector<16xi32>,
        %mul3A_33 = arith.constant 4 : i32
        %mul3A_34 = arith.muli %scan3A_22, %mul3A_33 : i32
        %get3A_35 = arith.index_cast %mul3A_34 : i32 to index
        %get3A_36 = tpu.vector_load %arg9[%get3A_35] {strides = array<i32>} : memref<528xi32, #tpu.memory_space<vmem>>, vector<16xi32>,
        %mul3A_37 = arith.constant 4 : i32
        %mul3A_38 = arith.muli %scan3A_22, %mul3A_37 : i32
        %get3A_39 = arith.index_cast %mul3A_38 : i32 to index
        %get3A_40 = tpu.vector_load %arg10[%get3A_39] {strides = array<i32>} : memref<528xi32, #tpu.memory_space<vmem>>, vector<16xi32>,
        %mul3A_41 = arith.constant 4 : i32
        %mul3A_42 = arith.muli %rem3A_29, %mul3A_41 : i32
        %add3A_43 = arith.constant 0 : i32
        %add3A_44 = arith.addi %mul3A_42, %add3A_43 : i32
        %slice3A = vector.extract_strided_slice %get3A_32 {offsets = [0], sizes = [1], strides = [1]} : vector<16xi32> to vector<1xi32>
        %squeeze3A = vector.extract %slice3A[0] : i32 from vector<1xi32>
        %shift_right_arithmetic3A_45 = arith.constant 7 : i32
        %shift_right_arithmetic3A_46 = arith.shrsi %squeeze3A, %shift_right_arithmetic3A_45 : i32
        %shift_left3A = arith.constant 7 : i32
        %shift_left3A_47 = arith.shli %shift_right_arithmetic3A_46, %shift_left3A : i32
        %multiple_of3A = tpu.assume_multiple %shift_left3A_47, 128 : i32
        %add3A_48 = arith.constant 0 : i32
        %add3A_49 = arith.addi %add3A_48, %add3A_44 : i32
        %dma_start3A = arith.constant 0 : i32
        %dma_start3A_50 = arith.constant 0 : i32
        %dma_start3A_51 = tpu.memref_slice %arg11[%add3A_49, %dma_start3A, %dma_start3A_50] : memref<32x8x128xf32, #tpu.memory_space<vmem>> -> memref<1x8x128xf32, #tpu.memory_space<vmem>>
        %dma_start3A_52 = arith.constant 0 : i32
        %dma_start3A_53 = arith.constant 0 : i32
        %dma_start3A_54 = tpu.memref_slice %arg6[%dma_start3A_52, %dma_start3A_53, %multiple_of3A] : memref<4x8x1000000xf32, #tpu.memory_space<hbm>> -> memref<1x8x128xf32, #tpu.memory_space<hbm>>
        %dma_start3A_55 = tpu.memref_slice %arg15[%rem3A_29] : memref<2x!tpu.dma_semaphore, #tpu.memory_space<semaphore_mem>> -> memref<1x!tpu.dma_semaphore, #tpu.memory_space<semaphore_mem>>
        %dma_start3A_56 = tpu.memref_squeeze %dma_start3A_55 : memref<1x!tpu.dma_semaphore, #tpu.memory_space<semaphore_mem>> -> memref<!tpu.dma_semaphore, #tpu.memory_space<semaphore_mem>>
        %dma_start3A_57 = arith.constant 0 : i32
        %dma_start3A_58 = arith.constant 0 : i32
        %dma_start3A_59 = tpu.memref_slice %arg11[%add3A_49, %dma_start3A_57, %dma_start3A_58] : memref<32x8x128xf32, #tpu.memory_space<vmem>> -> memref<1x8x128xf32, #tpu.memory_space<vmem>>
        %dma_start3A_60 = arith.constant 0 : i32
        %dma_start3A_61 = arith.constant 0 : i32
        %dma_start3A_62 = tpu.memref_slice %arg6[%dma_start3A_60, %dma_start3A_61, %multiple_of3A] : memref<4x8x1000000xf32, #tpu.memory_space<hbm>> -> memref<1x8x128xf32, #tpu.memory_space<hbm>>
        tpu.enqueue_dma source(%dma_start3A_62 : memref<1x8x128xf32, #tpu.memory_space<hbm>>) target(%dma_start3A_59 : memref<1x8x128xf32, #tpu.memory_space<vmem>>) target_semaphore(%dma_start3A_56 : memref<!tpu.dma_semaphore, #tpu.memory_space<semaphore_mem>>)
        %add3A_63 = arith.constant 8 : i32
        %add3A_64 = arith.addi %add3A_63, %add3A_44 : i32
        %dma_start3A_65 = arith.constant 0 : i32
        %dma_start3A_66 = arith.constant 0 : i32
        %dma_start3A_67 = tpu.memref_slice %arg11[%add3A_64, %dma_start3A_65, %dma_start3A_66] : memref<32x8x128xf32, #tpu.memory_space<vmem>> -> memref<1x8x128xf32, #tpu.memory_space<vmem>>
        %dma_start3A_68 = arith.constant 1 : i32
        %dma_start3A_69 = arith.constant 0 : i32
        %dma_start3A_70 = tpu.memref_slice %arg6[%dma_start3A_68, %dma_start3A_69, %multiple_of3A] : memref<4x8x1000000xf32, #tpu.memory_space<hbm>> -> memref<1x8x128xf32, #tpu.memory_space<hbm>>
        %dma_start3A_71 = tpu.memref_slice %arg15[%rem3A_29] : memref<2x!tpu.dma_semaphore, #tpu.memory_space<semaphore_mem>> -> memref<1x!tpu.dma_semaphore, #tpu.memory_space<semaphore_mem>>
        %dma_start3A_72 = tpu.memref_squeeze %dma_start3A_71 : memref<1x!tpu.dma_semaphore, #tpu.memory_space<semaphore_mem>> -> memref<!tpu.dma_semaphore, #tpu.memory_space<semaphore_mem>>
        %dma_start3A_73 = arith.constant 0 : i32
        %dma_start3A_74 = arith.constant 0 : i32
        %dma_start3A_75 = tpu.memref_slice %arg11[%add3A_64, %dma_start3A_73, %dma_start3A_74] : memref<32x8x128xf32, #tpu.memory_space<vmem>> -> memref<1x8x128xf32, #tpu.memory_space<vmem>>
        %dma_start3A_76 = arith.constant 1 : i32
        %dma_start3A_77 = arith.constant 0 : i32
        %dma_start3A_78 = tpu.memref_slice %arg6[%dma_start3A_76, %dma_start3A_77, %multiple_of3A] : memref<4x8x1000000xf32, #tpu.memory_space<hbm>> -> memref<1x8x128xf32, #tpu.memory_space<hbm>>
        tpu.enqueue_dma source(%dma_start3A_78 : memref<1x8x128xf32, #tpu.memory_space<hbm>>) target(%dma_start3A_75 : memref<1x8x128xf32, #tpu.memory_space<vmem>>) target_semaphore(%dma_start3A_72 : memref<!tpu.dma_semaphore, #tpu.memory_space<semaphore_mem>>)
        %add3A_79 = arith.constant 16 : i32
        %add3A_80 = arith.addi %add3A_79, %add3A_44 : i32
        %dma_start3A_81 = arith.constant 0 : i32
        %dma_start3A_82 = arith.constant 0 : i32
        %dma_start3A_83 = tpu.memref_slice %arg11[%add3A_80, %dma_start3A_81, %dma_start3A_82] : memref<32x8x128xf32, #tpu.memory_space<vmem>> -> memref<1x8x128xf32, #tpu.memory_space<vmem>>
        %dma_start3A_84 = arith.constant 2 : i32
        %dma_start3A_85 = arith.constant 0 : i32
        %dma_start3A_86 = tpu.memref_slice %arg6[%dma_start3A_84, %dma_start3A_85, %multiple_of3A] : memref<4x8x1000000xf32, #tpu.memory_space<hbm>> -> memref<1x8x128xf32, #tpu.memory_space<hbm>>
        %dma_start3A_87 = tpu.memref_slice %arg15[%rem3A_29] : memref<2x!tpu.dma_semaphore, #tpu.memory_space<semaphore_mem>> -> memref<1x!tpu.dma_semaphore, #tpu.memory_space<semaphore_mem>>
        %dma_start3A_88 = tpu.memref_squeeze %dma_start3A_87 : memref<1x!tpu.dma_semaphore, #tpu.memory_space<semaphore_mem>> -> memref<!tpu.dma_semaphore, #tpu.memory_space<semaphore_mem>>
        %dma_start3A_89 = arith.constant 0 : i32
        %dma_start3A_90 = arith.constant 0 : i32
        %dma_start3A_91 = tpu.memref_slice %arg11[%add3A_80, %dma_start3A_89, %dma_start3A_90] : memref<32x8x128xf32, #tpu.memory_space<vmem>> -> memref<1x8x128xf32, #tpu.memory_space<vmem>>
        %dma_start3A_92 = arith.constant 2 : i32
        %dma_start3A_93 = arith.constant 0 : i32
        %dma_start3A_94 = tpu.memref_slice %arg6[%dma_start3A_92, %dma_start3A_93, %multiple_of3A] : memref<4x8x1000000xf32, #tpu.memory_space<hbm>> -> memref<1x8x128xf32, #tpu.memory_space<hbm>>
        tpu.enqueue_dma source(%dma_start3A_94 : memref<1x8x128xf32, #tpu.memory_space<hbm>>) target(%dma_start3A_91 : memref<1x8x128xf32, #tpu.memory_space<vmem>>) target_semaphore(%dma_start3A_88 : memref<!tpu.dma_semaphore, #tpu.memory_space<semaphore_mem>>)
        %add3A_95 = arith.constant 24 : i32
        %add3A_96 = arith.addi %add3A_95, %add3A_44 : i32
        %dma_start3A_97 = arith.constant 0 : i32
        %dma_start3A_98 = arith.constant 0 : i32
        %dma_start3A_99 = tpu.memref_slice %arg11[%add3A_96, %dma_start3A_97, %dma_start3A_98] : memref<32x8x128xf32, #tpu.memory_space<vmem>> -> memref<1x8x128xf32, #tpu.memory_space<vmem>>
        %dma_start3A_100 = arith.constant 3 : i32
        %dma_start3A_101 = arith.constant 0 : i32
        %dma_start3A_102 = tpu.memref_slice %arg6[%dma_start3A_100, %dma_start3A_101, %multiple_of3A] : memref<4x8x1000000xf32, #tpu.memory_space<hbm>> -> memref<1x8x128xf32, #tpu.memory_space<hbm>>
        %dma_start3A_103 = tpu.memref_slice %arg15[%rem3A_29] : memref<2x!tpu.dma_semaphore, #tpu.memory_space<semaphore_mem>> -> memref<1x!tpu.dma_semaphore, #tpu.memory_space<semaphore_mem>>
        %dma_start3A_104 = tpu.memref_squeeze %dma_start3A_103 : memref<1x!tpu.dma_semaphore, #tpu.memory_space<semaphore_mem>> -> memref<!tpu.dma_semaphore, #tpu.memory_space<semaphore_mem>>
        %dma_start3A_105 = arith.constant 0 : i32
        %dma_start3A_106 = arith.constant 0 : i32
        %dma_start3A_107 = tpu.memref_slice %arg11[%add3A_96, %dma_start3A_105, %dma_start3A_106] : memref<32x8x128xf32, #tpu.memory_space<vmem>> -> memref<1x8x128xf32, #tpu.memory_space<vmem>>
        %dma_start3A_108 = arith.constant 3 : i32
        %dma_start3A_109 = arith.constant 0 : i32
        %dma_start3A_110 = tpu.memref_slice %arg6[%dma_start3A_108, %dma_start3A_109, %multiple_of3A] : memref<4x8x1000000xf32, #tpu.memory_space<hbm>> -> memref<1x8x128xf32, #tpu.memory_space<hbm>>
        tpu.enqueue_dma source(%dma_start3A_110 : memref<1x8x128xf32, #tpu.memory_space<hbm>>) target(%dma_start3A_107 : memref<1x8x128xf32, #tpu.memory_space<vmem>>) target_semaphore(%dma_start3A_104 : memref<!tpu.dma_semaphore, #tpu.memory_space<semaphore_mem>>)
        %slice3A_111 = vector.extract_strided_slice %get3A_36 {offsets = [0], sizes = [1], strides = [1]} : vector<16xi32> to vector<1xi32>
        %squeeze3A_112 = vector.extract %slice3A_111[0] : i32 from vector<1xi32>
        %shift_right_arithmetic3A_113 = arith.constant 7 : i32
        %shift_right_arithmetic3A_114 = arith.shrsi %squeeze3A_112, %shift_right_arithmetic3A_113 : i32
        %shift_left3A_115 = arith.constant 7 : i32
        %shift_left3A_116 = arith.shli %shift_right_arithmetic3A_114, %shift_left3A_115 : i32
        %multiple_of3A_117 = tpu.assume_multiple %shift_left3A_116, 128 : i32
        %add3A_118 = arith.constant 0 : i32
        %add3A_119 = arith.addi %add3A_118, %add3A_44 : i32
        %dma_start3A_120 = arith.constant 0 : i32
        %dma_start3A_121 = arith.constant 0 : i32
        %dma_start3A_122 = tpu.memref_slice %arg12[%add3A_119, %dma_start3A_120, %dma_start3A_121] : memref<32x8x128xf32, #tpu.memory_space<vmem>> -> memref<1x8x128xf32, #tpu.memory_space<vmem>>
        %dma_start3A_123 = arith.constant 0 : i32
        %dma_start3A_124 = arith.constant 0 : i32
        %dma_start3A_125 = tpu.memref_slice %arg5[%dma_start3A_123, %dma_start3A_124, %multiple_of3A_117] : memref<4x8x1000000xf32, #tpu.memory_space<hbm>> -> memref<1x8x128xf32, #tpu.memory_space<hbm>>
        %dma_start3A_126 = tpu.memref_slice %arg15[%rem3A_29] : memref<2x!tpu.dma_semaphore, #tpu.memory_space<semaphore_mem>> -> memref<1x!tpu.dma_semaphore, #tpu.memory_space<semaphore_mem>>
        %dma_start3A_127 = tpu.memref_squeeze %dma_start3A_126 : memref<1x!tpu.dma_semaphore, #tpu.memory_space<semaphore_mem>> -> memref<!tpu.dma_semaphore, #tpu.memory_space<semaphore_mem>>
        %dma_start3A_128 = arith.constant 0 : i32
        %dma_start3A_129 = arith.constant 0 : i32
        %dma_start3A_130 = tpu.memref_slice %arg12[%add3A_119, %dma_start3A_128, %dma_start3A_129] : memref<32x8x128xf32, #tpu.memory_space<vmem>> -> memref<1x8x128xf32, #tpu.memory_space<vmem>>
        %dma_start3A_131 = arith.constant 0 : i32
        %dma_start3A_132 = arith.constant 0 : i32
        %dma_start3A_133 = tpu.memref_slice %arg5[%dma_start3A_131, %dma_start3A_132, %multiple_of3A_117] : memref<4x8x1000000xf32, #tpu.memory_space<hbm>> -> memref<1x8x128xf32, #tpu.memory_space<hbm>>
        tpu.enqueue_dma source(%dma_start3A_133 : memref<1x8x128xf32, #tpu.memory_space<hbm>>) target(%dma_start3A_130 : memref<1x8x128xf32, #tpu.memory_space<vmem>>) target_semaphore(%dma_start3A_127 : memref<!tpu.dma_semaphore, #tpu.memory_space<semaphore_mem>>)
        %add3A_134 = arith.constant 8 : i32
        %add3A_135 = arith.addi %add3A_134, %add3A_44 : i32
        %dma_start3A_136 = arith.constant 0 : i32
        %dma_start3A_137 = arith.constant 0 : i32
        %dma_start3A_138 = tpu.memref_slice %arg12[%add3A_135, %dma_start3A_136, %dma_start3A_137] : memref<32x8x128xf32, #tpu.memory_space<vmem>> -> memref<1x8x128xf32, #tpu.memory_space<vmem>>
        %dma_start3A_139 = arith.constant 1 : i32
        %dma_start3A_140 = arith.constant 0 : i32
        %dma_start3A_141 = tpu.memref_slice %arg5[%dma_start3A_139, %dma_start3A_140, %multiple_of3A_117] : memref<4x8x1000000xf32, #tpu.memory_space<hbm>> -> memref<1x8x128xf32, #tpu.memory_space<hbm>>
        %dma_start3A_142 = tpu.memref_slice %arg15[%rem3A_29] : memref<2x!tpu.dma_semaphore, #tpu.memory_space<semaphore_mem>> -> memref<1x!tpu.dma_semaphore, #tpu.memory_space<semaphore_mem>>
        %dma_start3A_143 = tpu.memref_squeeze %dma_start3A_142 : memref<1x!tpu.dma_semaphore, #tpu.memory_space<semaphore_mem>> -> memref<!tpu.dma_semaphore, #tpu.memory_space<semaphore_mem>>
        %dma_start3A_144 = arith.constant 0 : i32
        %dma_start3A_145 = arith.constant 0 : i32
        %dma_start3A_146 = tpu.memref_slice %arg12[%add3A_135, %dma_start3A_144, %dma_start3A_145] : memref<32x8x128xf32, #tpu.memory_space<vmem>> -> memref<1x8x128xf32, #tpu.memory_space<vmem>>
        %dma_start3A_147 = arith.constant 1 : i32
        %dma_start3A_148 = arith.constant 0 : i32
        %dma_start3A_149 = tpu.memref_slice %arg5[%dma_start3A_147, %dma_start3A_148, %multiple_of3A_117] : memref<4x8x1000000xf32, #tpu.memory_space<hbm>> -> memref<1x8x128xf32, #tpu.memory_space<hbm>>
        tpu.enqueue_dma source(%dma_start3A_149 : memref<1x8x128xf32, #tpu.memory_space<hbm>>) target(%dma_start3A_146 : memref<1x8x128xf32, #tpu.memory_space<vmem>>) target_semaphore(%dma_start3A_143 : memref<!tpu.dma_semaphore, #tpu.memory_space<semaphore_mem>>)
        %add3A_150 = arith.constant 16 : i32
        %add3A_151 = arith.addi %add3A_150, %add3A_44 : i32
        %dma_start3A_152 = arith.constant 0 : i32
        %dma_start3A_153 = arith.constant 0 : i32
        %dma_start3A_154 = tpu.memref_slice %arg12[%add3A_151, %dma_start3A_152, %dma_start3A_153] : memref<32x8x128xf32, #tpu.memory_space<vmem>> -> memref<1x8x128xf32, #tpu.memory_space<vmem>>
        %dma_start3A_155 = arith.constant 2 : i32
        %dma_start3A_156 = arith.constant 0 : i32
        %dma_start3A_157 = tpu.memref_slice %arg5[%dma_start3A_155, %dma_start3A_156, %multiple_of3A_117] : memref<4x8x1000000xf32, #tpu.memory_space<hbm>> -> memref<1x8x128xf32, #tpu.memory_space<hbm>>
        %dma_start3A_158 = tpu.memref_slice %arg15[%rem3A_29] : memref<2x!tpu.dma_semaphore, #tpu.memory_space<semaphore_mem>> -> memref<1x!tpu.dma_semaphore, #tpu.memory_space<semaphore_mem>>
        %dma_start3A_159 = tpu.memref_squeeze %dma_start3A_158 : memref<1x!tpu.dma_semaphore, #tpu.memory_space<semaphore_mem>> -> memref<!tpu.dma_semaphore, #tpu.memory_space<semaphore_mem>>
        %dma_start3A_160 = arith.constant 0 : i32
        %dma_start3A_161 = arith.constant 0 : i32
        %dma_start3A_162 = tpu.memref_slice %arg12[%add3A_151, %dma_start3A_160, %dma_start3A_161] : memref<32x8x128xf32, #tpu.memory_space<vmem>> -> memref<1x8x128xf32, #tpu.memory_space<vmem>>
        %dma_start3A_163 = arith.constant 2 : i32
        %dma_start3A_164 = arith.constant 0 : i32
        %dma_start3A_165 = tpu.memref_slice %arg5[%dma_start3A_163, %dma_start3A_164, %multiple_of3A_117] : memref<4x8x1000000xf32, #tpu.memory_space<hbm>> -> memref<1x8x128xf32, #tpu.memory_space<hbm>>
        tpu.enqueue_dma source(%dma_start3A_165 : memref<1x8x128xf32, #tpu.memory_space<hbm>>) target(%dma_start3A_162 : memref<1x8x128xf32, #tpu.memory_space<vmem>>) target_semaphore(%dma_start3A_159 : memref<!tpu.dma_semaphore, #tpu.memory_space<semaphore_mem>>)
        %add3A_166 = arith.constant 24 : i32
        %add3A_167 = arith.addi %add3A_166, %add3A_44 : i32
        %dma_start3A_168 = arith.constant 0 : i32
        %dma_start3A_169 = arith.constant 0 : i32
        %dma_start3A_170 = tpu.memref_slice %arg12[%add3A_167, %dma_start3A_168, %dma_start3A_169] : memref<32x8x128xf32, #tpu.memory_space<vmem>> -> memref<1x8x128xf32, #tpu.memory_space<vmem>>
        %dma_start3A_171 = arith.constant 3 : i32
        %dma_start3A_172 = arith.constant 0 : i32
        %dma_start3A_173 = tpu.memref_slice %arg5[%dma_start3A_171, %dma_start3A_172, %multiple_of3A_117] : memref<4x8x1000000xf32, #tpu.memory_space<hbm>> -> memref<1x8x128xf32, #tpu.memory_space<hbm>>
        %dma_start3A_174 = tpu.memref_slice %arg15[%rem3A_29] : memref<2x!tpu.dma_semaphore, #tpu.memory_space<semaphore_mem>> -> memref<1x!tpu.dma_semaphore, #tpu.memory_space<semaphore_mem>>
        %dma_start3A_175 = tpu.memref_squeeze %dma_start3A_174 : memref<1x!tpu.dma_semaphore, #tpu.memory_space<semaphore_mem>> -> memref<!tpu.dma_semaphore, #tpu.memory_space<semaphore_mem>>
        %dma_start3A_176 = arith.constant 0 : i32
        %dma_start3A_177 = arith.constant 0 : i32
        %dma_start3A_178 = tpu.memref_slice %arg12[%add3A_167, %dma_start3A_176, %dma_start3A_177] : memref<32x8x128xf32, #tpu.memory_space<vmem>> -> memref<1x8x128xf32, #tpu.memory_space<vmem>>
        %dma_start3A_179 = arith.constant 3 : i32
        %dma_start3A_180 = arith.constant 0 : i32
        %dma_start3A_181 = tpu.memref_slice %arg5[%dma_start3A_179, %dma_start3A_180, %multiple_of3A_117] : memref<4x8x1000000xf32, #tpu.memory_space<hbm>> -> memref<1x8x128xf32, #tpu.memory_space<hbm>>
        tpu.enqueue_dma source(%dma_start3A_181 : memref<1x8x128xf32, #tpu.memory_space<hbm>>) target(%dma_start3A_178 : memref<1x8x128xf32, #tpu.memory_space<vmem>>) target_semaphore(%dma_start3A_175 : memref<!tpu.dma_semaphore, #tpu.memory_space<semaphore_mem>>)
        %slice3A_182 = vector.extract_strided_slice %get3A_40 {offsets = [0], sizes = [1], strides = [1]} : vector<16xi32> to vector<1xi32>
        %squeeze3A_183 = vector.extract %slice3A_182[0] : i32 from vector<1xi32>
        %shift_right_arithmetic3A_184 = arith.constant 7 : i32
        %shift_right_arithmetic3A_185 = arith.shrsi %squeeze3A_183, %shift_right_arithmetic3A_184 : i32
        %shift_left3A_186 = arith.constant 7 : i32
        %shift_left3A_187 = arith.shli %shift_right_arithmetic3A_185, %shift_left3A_186 : i32
        %multiple_of3A_188 = tpu.assume_multiple %shift_left3A_187, 128 : i32
        %add3A_189 = arith.constant 0 : i32
        %add3A_190 = arith.addi %add3A_189, %add3A_44 : i32
        %dma_start3A_191 = arith.constant 0 : i32
        %dma_start3A_192 = arith.constant 0 : i32
        %dma_start3A_193 = tpu.memref_slice %arg13[%add3A_190, %dma_start3A_191, %dma_start3A_192] : memref<32x8x128xf32, #tpu.memory_space<vmem>> -> memref<1x8x128xf32, #tpu.memory_space<vmem>>
        %dma_start3A_194 = arith.constant 0 : i32
        %dma_start3A_195 = arith.constant 0 : i32
        %dma_start3A_196 = tpu.memref_slice %arg5[%dma_start3A_194, %dma_start3A_195, %multiple_of3A_188] : memref<4x8x1000000xf32, #tpu.memory_space<hbm>> -> memref<1x8x128xf32, #tpu.memory_space<hbm>>
        %dma_start3A_197 = tpu.memref_slice %arg15[%rem3A_29] : memref<2x!tpu.dma_semaphore, #tpu.memory_space<semaphore_mem>> -> memref<1x!tpu.dma_semaphore, #tpu.memory_space<semaphore_mem>>
        %dma_start3A_198 = tpu.memref_squeeze %dma_start3A_197 : memref<1x!tpu.dma_semaphore, #tpu.memory_space<semaphore_mem>> -> memref<!tpu.dma_semaphore, #tpu.memory_space<semaphore_mem>>
        %dma_start3A_199 = arith.constant 0 : i32
        %dma_start3A_200 = arith.constant 0 : i32
        %dma_start3A_201 = tpu.memref_slice %arg13[%add3A_190, %dma_start3A_199, %dma_start3A_200] : memref<32x8x128xf32, #tpu.memory_space<vmem>> -> memref<1x8x128xf32, #tpu.memory_space<vmem>>
        %dma_start3A_202 = arith.constant 0 : i32
        %dma_start3A_203 = arith.constant 0 : i32
        %dma_start3A_204 = tpu.memref_slice %arg5[%dma_start3A_202, %dma_start3A_203, %multiple_of3A_188] : memref<4x8x1000000xf32, #tpu.memory_space<hbm>> -> memref<1x8x128xf32, #tpu.memory_space<hbm>>
        tpu.enqueue_dma source(%dma_start3A_204 : memref<1x8x128xf32, #tpu.memory_space<hbm>>) target(%dma_start3A_201 : memref<1x8x128xf32, #tpu.memory_space<vmem>>) target_semaphore(%dma_start3A_198 : memref<!tpu.dma_semaphore, #tpu.memory_space<semaphore_mem>>)
        %add3A_205 = arith.constant 8 : i32
        %add3A_206 = arith.addi %add3A_205, %add3A_44 : i32
        %dma_start3A_207 = arith.constant 0 : i32
        %dma_start3A_208 = arith.constant 0 : i32
        %dma_start3A_209 = tpu.memref_slice %arg13[%add3A_206, %dma_start3A_207, %dma_start3A_208] : memref<32x8x128xf32, #tpu.memory_space<vmem>> -> memref<1x8x128xf32, #tpu.memory_space<vmem>>
        %dma_start3A_210 = arith.constant 1 : i32
        %dma_start3A_211 = arith.constant 0 : i32
        %dma_start3A_212 = tpu.memref_slice %arg5[%dma_start3A_210, %dma_start3A_211, %multiple_of3A_188] : memref<4x8x1000000xf32, #tpu.memory_space<hbm>> -> memref<1x8x128xf32, #tpu.memory_space<hbm>>
        %dma_start3A_213 = tpu.memref_slice %arg15[%rem3A_29] : memref<2x!tpu.dma_semaphore, #tpu.memory_space<semaphore_mem>> -> memref<1x!tpu.dma_semaphore, #tpu.memory_space<semaphore_mem>>
        %dma_start3A_214 = tpu.memref_squeeze %dma_start3A_213 : memref<1x!tpu.dma_semaphore, #tpu.memory_space<semaphore_mem>> -> memref<!tpu.dma_semaphore, #tpu.memory_space<semaphore_mem>>
        %dma_start3A_215 = arith.constant 0 : i32
        %dma_start3A_216 = arith.constant 0 : i32
        %dma_start3A_217 = tpu.memref_slice %arg13[%add3A_206, %dma_start3A_215, %dma_start3A_216] : memref<32x8x128xf32, #tpu.memory_space<vmem>> -> memref<1x8x128xf32, #tpu.memory_space<vmem>>
        %dma_start3A_218 = arith.constant 1 : i32
        %dma_start3A_219 = arith.constant 0 : i32
        %dma_start3A_220 = tpu.memref_slice %arg5[%dma_start3A_218, %dma_start3A_219, %multiple_of3A_188] : memref<4x8x1000000xf32, #tpu.memory_space<hbm>> -> memref<1x8x128xf32, #tpu.memory_space<hbm>>
        tpu.enqueue_dma source(%dma_start3A_220 : memref<1x8x128xf32, #tpu.memory_space<hbm>>) target(%dma_start3A_217 : memref<1x8x128xf32, #tpu.memory_space<vmem>>) target_semaphore(%dma_start3A_214 : memref<!tpu.dma_semaphore, #tpu.memory_space<semaphore_mem>>)
        %add3A_221 = arith.constant 16 : i32
        %add3A_222 = arith.addi %add3A_221, %add3A_44 : i32
        %dma_start3A_223 = arith.constant 0 : i32
        %dma_start3A_224 = arith.constant 0 : i32
        %dma_start3A_225 = tpu.memref_slice %arg13[%add3A_222, %dma_start3A_223, %dma_start3A_224] : memref<32x8x128xf32, #tpu.memory_space<vmem>> -> memref<1x8x128xf32, #tpu.memory_space<vmem>>
        %dma_start3A_226 = arith.constant 2 : i32
        %dma_start3A_227 = arith.constant 0 : i32
        %dma_start3A_228 = tpu.memref_slice %arg5[%dma_start3A_226, %dma_start3A_227, %multiple_of3A_188] : memref<4x8x1000000xf32, #tpu.memory_space<hbm>> -> memref<1x8x128xf32, #tpu.memory_space<hbm>>
        %dma_start3A_229 = tpu.memref_slice %arg15[%rem3A_29] : memref<2x!tpu.dma_semaphore, #tpu.memory_space<semaphore_mem>> -> memref<1x!tpu.dma_semaphore, #tpu.memory_space<semaphore_mem>>
        %dma_start3A_230 = tpu.memref_squeeze %dma_start3A_229 : memref<1x!tpu.dma_semaphore, #tpu.memory_space<semaphore_mem>> -> memref<!tpu.dma_semaphore, #tpu.memory_space<semaphore_mem>>
        %dma_start3A_231 = arith.constant 0 : i32
        %dma_start3A_232 = arith.constant 0 : i32
        %dma_start3A_233 = tpu.memref_slice %arg13[%add3A_222, %dma_start3A_231, %dma_start3A_232] : memref<32x8x128xf32, #tpu.memory_space<vmem>> -> memref<1x8x128xf32, #tpu.memory_space<vmem>>
        %dma_start3A_234 = arith.constant 2 : i32
        %dma_start3A_235 = arith.constant 0 : i32
        %dma_start3A_236 = tpu.memref_slice %arg5[%dma_start3A_234, %dma_start3A_235, %multiple_of3A_188] : memref<4x8x1000000xf32, #tpu.memory_space<hbm>> -> memref<1x8x128xf32, #tpu.memory_space<hbm>>
        tpu.enqueue_dma source(%dma_start3A_236 : memref<1x8x128xf32, #tpu.memory_space<hbm>>) target(%dma_start3A_233 : memref<1x8x128xf32, #tpu.memory_space<vmem>>) target_semaphore(%dma_start3A_230 : memref<!tpu.dma_semaphore, #tpu.memory_space<semaphore_mem>>)
        %add3A_237 = arith.constant 24 : i32
        %add3A_238 = arith.addi %add3A_237, %add3A_44 : i32
        %dma_start3A_239 = arith.constant 0 : i32
        %dma_start3A_240 = arith.constant 0 : i32
        %dma_start3A_241 = tpu.memref_slice %arg13[%add3A_238, %dma_start3A_239, %dma_start3A_240] : memref<32x8x128xf32, #tpu.memory_space<vmem>> -> memref<1x8x128xf32, #tpu.memory_space<vmem>>
        %dma_start3A_242 = arith.constant 3 : i32
        %dma_start3A_243 = arith.constant 0 : i32
        %dma_start3A_244 = tpu.memref_slice %arg5[%dma_start3A_242, %dma_start3A_243, %multiple_of3A_188] : memref<4x8x1000000xf32, #tpu.memory_space<hbm>> -> memref<1x8x128xf32, #tpu.memory_space<hbm>>
        %dma_start3A_245 = tpu.memref_slice %arg15[%rem3A_29] : memref<2x!tpu.dma_semaphore, #tpu.memory_space<semaphore_mem>> -> memref<1x!tpu.dma_semaphore, #tpu.memory_space<semaphore_mem>>
        %dma_start3A_246 = tpu.memref_squeeze %dma_start3A_245 : memref<1x!tpu.dma_semaphore, #tpu.memory_space<semaphore_mem>> -> memref<!tpu.dma_semaphore, #tpu.memory_space<semaphore_mem>>
        %dma_start3A_247 = arith.constant 0 : i32
        %dma_start3A_248 = arith.constant 0 : i32
        %dma_start3A_249 = tpu.memref_slice %arg13[%add3A_238, %dma_start3A_247, %dma_start3A_248] : memref<32x8x128xf32, #tpu.memory_space<vmem>> -> memref<1x8x128xf32, #tpu.memory_space<vmem>>
        %dma_start3A_250 = arith.constant 3 : i32
        %dma_start3A_251 = arith.constant 0 : i32
        %dma_start3A_252 = tpu.memref_slice %arg5[%dma_start3A_250, %dma_start3A_251, %multiple_of3A_188] : memref<4x8x1000000xf32, #tpu.memory_space<hbm>> -> memref<1x8x128xf32, #tpu.memory_space<hbm>>
        tpu.enqueue_dma source(%dma_start3A_252 : memref<1x8x128xf32, #tpu.memory_space<hbm>>) target(%dma_start3A_249 : memref<1x8x128xf32, #tpu.memory_space<vmem>>) target_semaphore(%dma_start3A_246 : memref<!tpu.dma_semaphore, #tpu.memory_space<semaphore_mem>>)
        %mul3A_253 = arith.constant 4 : i32
        %mul3A_254 = arith.muli %rem3A_29, %mul3A_253 : i32
        %add3A_255 = arith.constant 1 : i32
        %add3A_256 = arith.addi %mul3A_254, %add3A_255 : i32
        %slice3A_257 = vector.extract_strided_slice %get3A_32 {offsets = [1], sizes = [1], strides = [1]} : vector<16xi32> to vector<1xi32>
        %squeeze3A_258 = vector.extract %slice3A_257[0] : i32 from vector<1xi32>
        %shift_right_arithmetic3A_259 = arith.constant 7 : i32
        %shift_right_arithmetic3A_260 = arith.shrsi %squeeze3A_258, %shift_right_arithmetic3A_259 : i32
        %shift_left3A_261 = arith.constant 7 : i32
        %shift_left3A_262 = arith.shli %shift_right_arithmetic3A_260, %shift_left3A_261 : i32
        %multiple_of3A_263 = tpu.assume_multiple %shift_left3A_262, 128 : i32
        %add3A_264 = arith.constant 0 : i32
        %add3A_265 = arith.addi %add3A_264, %add3A_256 : i32
        %dma_start3A_266 = arith.constant 0 : i32
        %dma_start3A_267 = arith.constant 0 : i32
        %dma_start3A_268 = tpu.memref_slice %arg11[%add3A_265, %dma_start3A_266, %dma_start3A_267] : memref<32x8x128xf32, #tpu.memory_space<vmem>> -> memref<1x8x128xf32, #tpu.memory_space<vmem>>
        %dma_start3A_269 = arith.constant 0 : i32
        %dma_start3A_270 = arith.constant 0 : i32
        %dma_start3A_271 = tpu.memref_slice %arg6[%dma_start3A_269, %dma_start3A_270, %multiple_of3A_263] : memref<4x8x1000000xf32, #tpu.memory_space<hbm>> -> memref<1x8x128xf32, #tpu.memory_space<hbm>>
        %dma_start3A_272 = tpu.memref_slice %arg15[%rem3A_29] : memref<2x!tpu.dma_semaphore, #tpu.memory_space<semaphore_mem>> -> memref<1x!tpu.dma_semaphore, #tpu.memory_space<semaphore_mem>>
        %dma_start3A_273 = tpu.memref_squeeze %dma_start3A_272 : memref<1x!tpu.dma_semaphore, #tpu.memory_space<semaphore_mem>> -> memref<!tpu.dma_semaphore, #tpu.memory_space<semaphore_mem>>
        %dma_start3A_274 = arith.constant 0 : i32
        %dma_start3A_275 = arith.constant 0 : i32
        %dma_start3A_276 = tpu.memref_slice %arg11[%add3A_265, %dma_start3A_274, %dma_start3A_275] : memref<32x8x128xf32, #tpu.memory_space<vmem>> -> memref<1x8x128xf32, #tpu.memory_space<vmem>>
        %dma_start3A_277 = arith.constant 0 : i32
        %dma_start3A_278 = arith.constant 0 : i32
        %dma_start3A_279 = tpu.memref_slice %arg6[%dma_start3A_277, %dma_start3A_278, %multiple_of3A_263] : memref<4x8x1000000xf32, #tpu.memory_space<hbm>> -> memref<1x8x128xf32, #tpu.memory_space<hbm>>
        tpu.enqueue_dma source(%dma_start3A_279 : memref<1x8x128xf32, #tpu.memory_space<hbm>>) target(%dma_start3A_276 : memref<1x8x128xf32, #tpu.memory_space<vmem>>) target_semaphore(%dma_start3A_273 : memref<!tpu.dma_semaphore, #tpu.memory_space<semaphore_mem>>)
        %add3A_280 = arith.constant 8 : i32
        %add3A_281 = arith.addi %add3A_280, %add3A_256 : i32
        %dma_start3A_282 = arith.constant 0 : i32
        %dma_start3A_283 = arith.constant 0 : i32
        %dma_start3A_284 = tpu.memref_slice %arg11[%add3A_281, %dma_start3A_282, %dma_start3A_283] : memref<32x8x128xf32, #tpu.memory_space<vmem>> -> memref<1x8x128xf32, #tpu.memory_space<vmem>>
        %dma_start3A_285 = arith.constant 1 : i32
        %dma_start3A_286 = arith.constant 0 : i32
        %dma_start3A_287 = tpu.memref_slice %arg6[%dma_start3A_285, %dma_start3A_286, %multiple_of3A_263] : memref<4x8x1000000xf32, #tpu.memory_space<hbm>> -> memref<1x8x128xf32, #tpu.memory_space<hbm>>
        %dma_start3A_288 = tpu.memref_slice %arg15[%rem3A_29] : memref<2x!tpu.dma_semaphore, #tpu.memory_space<semaphore_mem>> -> memref<1x!tpu.dma_semaphore, #tpu.memory_space<semaphore_mem>>
        %dma_start3A_289 = tpu.memref_squeeze %dma_start3A_288 : memref<1x!tpu.dma_semaphore, #tpu.memory_space<semaphore_mem>> -> memref<!tpu.dma_semaphore, #tpu.memory_space<semaphore_mem>>
        %dma_start3A_290 = arith.constant 0 : i32
        %dma_start3A_291 = arith.constant 0 : i32
        %dma_start3A_292 = tpu.memref_slice %arg11[%add3A_281, %dma_start3A_290, %dma_start3A_291] : memref<32x8x128xf32, #tpu.memory_space<vmem>> -> memref<1x8x128xf32, #tpu.memory_space<vmem>>
        %dma_start3A_293 = arith.constant 1 : i32
        %dma_start3A_294 = arith.constant 0 : i32
        %dma_start3A_295 = tpu.memref_slice %arg6[%dma_start3A_293, %dma_start3A_294, %multiple_of3A_263] : memref<4x8x1000000xf32, #tpu.memory_space<hbm>> -> memref<1x8x128xf32, #tpu.memory_space<hbm>>
        tpu.enqueue_dma source(%dma_start3A_295 : memref<1x8x128xf32, #tpu.memory_space<hbm>>) target(%dma_start3A_292 : memref<1x8x128xf32, #tpu.memory_space<vmem>>) target_semaphore(%dma_start3A_289 : memref<!tpu.dma_semaphore, #tpu.memory_space<semaphore_mem>>)
        %add3A_296 = arith.constant 16 : i32
        %add3A_297 = arith.addi %add3A_296, %add3A_256 : i32
        %dma_start3A_298 = arith.constant 0 : i32
        %dma_start3A_299 = arith.constant 0 : i32
        %dma_start3A_300 = tpu.memref_slice %arg11[%add3A_297, %dma_start3A_298, %dma_start3A_299] : memref<32x8x128xf32, #tpu.memory_space<vmem>> -> memref<1x8x128xf32, #tpu.memory_space<vmem>>
        %dma_start3A_301 = arith.constant 2 : i32
        %dma_start3A_302 = arith.constant 0 : i32
        %dma_start3A_303 = tpu.memref_slice %arg6[%dma_start3A_301, %dma_start3A_302, %multiple_of3A_263] : memref<4x8x1000000xf32, #tpu.memory_space<hbm>> -> memref<1x8x128xf32, #tpu.memory_space<hbm>>
        %dma_start3A_304 = tpu.memref_slice %arg15[%rem3A_29] : memref<2x!tpu.dma_semaphore, #tpu.memory_space<semaphore_mem>> -> memref<1x!tpu.dma_semaphore, #tpu.memory_space<semaphore_mem>>
        %dma_start3A_305 = tpu.memref_squeeze %dma_start3A_304 : memref<1x!tpu.dma_semaphore, #tpu.memory_space<semaphore_mem>> -> memref<!tpu.dma_semaphore, #tpu.memory_space<semaphore_mem>>
        %dma_start3A_306 = arith.constant 0 : i32
        %dma_start3A_307 = arith.constant 0 : i32
        %dma_start3A_308 = tpu.memref_slice %arg11[%add3A_297, %dma_start3A_306, %dma_start3A_307] : memref<32x8x128xf32, #tpu.memory_space<vmem>> -> memref<1x8x128xf32, #tpu.memory_space<vmem>>
        %dma_start3A_309 = arith.constant 2 : i32
        %dma_start3A_310 = arith.constant 0 : i32
        %dma_start3A_311 = tpu.memref_slice %arg6[%dma_start3A_309, %dma_start3A_310, %multiple_of3A_263] : memref<4x8x1000000xf32, #tpu.memory_space<hbm>> -> memref<1x8x128xf32, #tpu.memory_space<hbm>>
        tpu.enqueue_dma source(%dma_start3A_311 : memref<1x8x128xf32, #tpu.memory_space<hbm>>) target(%dma_start3A_308 : memref<1x8x128xf32, #tpu.memory_space<vmem>>) target_semaphore(%dma_start3A_305 : memref<!tpu.dma_semaphore, #tpu.memory_space<semaphore_mem>>)
        %add3A_312 = arith.constant 24 : i32
        %add3A_313 = arith.addi %add3A_312, %add3A_256 : i32
        %dma_start3A_314 = arith.constant 0 : i32
        %dma_start3A_315 = arith.constant 0 : i32
        %dma_start3A_316 = tpu.memref_slice %arg11[%add3A_313, %dma_start3A_314, %dma_start3A_315] : memref<32x8x128xf32, #tpu.memory_space<vmem>> -> memref<1x8x128xf32, #tpu.memory_space<vmem>>
        %dma_start3A_317 = arith.constant 3 : i32
        %dma_start3A_318 = arith.constant 0 : i32
        %dma_start3A_319 = tpu.memref_slice %arg6[%dma_start3A_317, %dma_start3A_318, %multiple_of3A_263] : memref<4x8x1000000xf32, #tpu.memory_space<hbm>> -> memref<1x8x128xf32, #tpu.memory_space<hbm>>
        %dma_start3A_320 = tpu.memref_slice %arg15[%rem3A_29] : memref<2x!tpu.dma_semaphore, #tpu.memory_space<semaphore_mem>> -> memref<1x!tpu.dma_semaphore, #tpu.memory_space<semaphore_mem>>
        %dma_start3A_321 = tpu.memref_squeeze %dma_start3A_320 : memref<1x!tpu.dma_semaphore, #tpu.memory_space<semaphore_mem>> -> memref<!tpu.dma_semaphore, #tpu.memory_space<semaphore_mem>>
        %dma_start3A_322 = arith.constant 0 : i32
        %dma_start3A_323 = arith.constant 0 : i32
        %dma_start3A_324 = tpu.memref_slice %arg11[%add3A_313, %dma_start3A_322, %dma_start3A_323] : memref<32x8x128xf32, #tpu.memory_space<vmem>> -> memref<1x8x128xf32, #tpu.memory_space<vmem>>
        %dma_start3A_325 = arith.constant 3 : i32
        %dma_start3A_326 = arith.constant 0 : i32
        %dma_start3A_327 = tpu.memref_slice %arg6[%dma_start3A_325, %dma_start3A_326, %multiple_of3A_263] : memref<4x8x1000000xf32, #tpu.memory_space<hbm>> -> memref<1x8x128xf32, #tpu.memory_space<hbm>>
        tpu.enqueue_dma source(%dma_start3A_327 : memref<1x8x128xf32, #tpu.memory_space<hbm>>) target(%dma_start3A_324 : memref<1x8x128xf32, #tpu.memory_space<vmem>>) target_semaphore(%dma_start3A_321 : memref<!tpu.dma_semaphore, #tpu.memory_space<semaphore_mem>>)
        %slice3A_328 = vector.extract_strided_slice %get3A_36 {offsets = [1], sizes = [1], strides = [1]} : vector<16xi32> to vector<1xi32>
        %squeeze3A_329 = vector.extract %slice3A_328[0] : i32 from vector<1xi32>
        %shift_right_arithmetic3A_330 = arith.constant 7 : i32
        %shift_right_arithmetic3A_331 = arith.shrsi %squeeze3A_329, %shift_right_arithmetic3A_330 : i32
        %shift_left3A_332 = arith.constant 7 : i32
        %shift_left3A_333 = arith.shli %shift_right_arithmetic3A_331, %shift_left3A_332 : i32
        %multiple_of3A_334 = tpu.assume_multiple %shift_left3A_333, 128 : i32
        %add3A_335 = arith.constant 0 : i32
        %add3A_336 = arith.addi %add3A_335, %add3A_256 : i32
        %dma_start3A_337 = arith.constant 0 : i32
        %dma_start3A_338 = arith.constant 0 : i32
        %dma_start3A_339 = tpu.memref_slice %arg12[%add3A_336, %dma_start3A_337, %dma_start3A_338] : memref<32x8x128xf32, #tpu.memory_space<vmem>> -> memref<1x8x128xf32, #tpu.memory_space<vmem>>
        %dma_start3A_340 = arith.constant 0 : i32
        %dma_start3A_341 = arith.constant 0 : i32
        %dma_start3A_342 = tpu.memref_slice %arg5[%dma_start3A_340, %dma_start3A_341, %multiple_of3A_334] : memref<4x8x1000000xf32, #tpu.memory_space<hbm>> -> memref<1x8x128xf32, #tpu.memory_space<hbm>>
        %dma_start3A_343 = tpu.memref_slice %arg15[%rem3A_29] : memref<2x!tpu.dma_semaphore, #tpu.memory_space<semaphore_mem>> -> memref<1x!tpu.dma_semaphore, #tpu.memory_space<semaphore_mem>>
        %dma_start3A_344 = tpu.memref_squeeze %dma_start3A_343 : memref<1x!tpu.dma_semaphore, #tpu.memory_space<semaphore_mem>> -> memref<!tpu.dma_semaphore, #tpu.memory_space<semaphore_mem>>
        %dma_start3A_345 = arith.constant 0 : i32
        %dma_start3A_346 = arith.constant 0 : i32
        %dma_start3A_347 = tpu.memref_slice %arg12[%add3A_336, %dma_start3A_345, %dma_start3A_346] : memref<32x8x128xf32, #tpu.memory_space<vmem>> -> memref<1x8x128xf32, #tpu.memory_space<vmem>>
        %dma_start3A_348 = arith.constant 0 : i32
        %dma_start3A_349 = arith.constant 0 : i32
        %dma_start3A_350 = tpu.memref_slice %arg5[%dma_start3A_348, %dma_start3A_349, %multiple_of3A_334] : memref<4x8x1000000xf32, #tpu.memory_space<hbm>> -> memref<1x8x128xf32, #tpu.memory_space<hbm>>
        tpu.enqueue_dma source(%dma_start3A_350 : memref<1x8x128xf32, #tpu.memory_space<hbm>>) target(%dma_start3A_347 : memref<1x8x128xf32, #tpu.memory_space<vmem>>) target_semaphore(%dma_start3A_344 : memref<!tpu.dma_semaphore, #tpu.memory_space<semaphore_mem>>)
        %add3A_351 = arith.constant 8 : i32
        %add3A_352 = arith.addi %add3A_351, %add3A_256 : i32
        %dma_start3A_353 = arith.constant 0 : i32
        %dma_start3A_354 = arith.constant 0 : i32
        %dma_start3A_355 = tpu.memref_slice %arg12[%add3A_352, %dma_start3A_353, %dma_start3A_354] : memref<32x8x128xf32, #tpu.memory_space<vmem>> -> memref<1x8x128xf32, #tpu.memory_space<vmem>>
        %dma_start3A_356 = arith.constant 1 : i32
        %dma_start3A_357 = arith.constant 0 : i32
        %dma_start3A_358 = tpu.memref_slice %arg5[%dma_start3A_356, %dma_start3A_357, %multiple_of3A_334] : memref<4x8x1000000xf32, #tpu.memory_space<hbm>> -> memref<1x8x128xf32, #tpu.memory_space<hbm>>
        %dma_start3A_359 = tpu.memref_slice %arg15[%rem3A_29] : memref<2x!tpu.dma_semaphore, #tpu.memory_space<semaphore_mem>> -> memref<1x!tpu.dma_semaphore, #tpu.memory_space<semaphore_mem>>
        %dma_start3A_360 = tpu.memref_squeeze %dma_start3A_359 : memref<1x!tpu.dma_semaphore, #tpu.memory_space<semaphore_mem>> -> memref<!tpu.dma_semaphore, #tpu.memory_space<semaphore_mem>>
        %dma_start3A_361 = arith.constant 0 : i32
        %dma_start3A_362 = arith.constant 0 : i32
        %dma_start3A_363 = tpu.memref_slice %arg12[%add3A_352, %dma_start3A_361, %dma_start3A_362] : memref<32x8x128xf32, #tpu.memory_space<vmem>> -> memref<1x8x128xf32, #tpu.memory_space<vmem>>
        %dma_start3A_364 = arith.constant 1 : i32
        %dma_start3A_365 = arith.constant 0 : i32
        %dma_start3A_366 = tpu.memref_slice %arg5[%dma_start3A_364, %dma_start3A_365, %multiple_of3A_334] : memref<4x8x1000000xf32, #tpu.memory_space<hbm>> -> memref<1x8x128xf32, #tpu.memory_space<hbm>>
        tpu.enqueue_dma source(%dma_start3A_366 : memref<1x8x128xf32, #tpu.memory_space<hbm>>) target(%dma_start3A_363 : memref<1x8x128xf32, #tpu.memory_space<vmem>>) target_semaphore(%dma_start3A_360 : memref<!tpu.dma_semaphore, #tpu.memory_space<semaphore_mem>>)
        %add3A_367 = arith.constant 16 : i32
        %add3A_368 = arith.addi %add3A_367, %add3A_256 : i32
        %dma_start3A_369 = arith.constant 0 : i32
        %dma_start3A_370 = arith.constant 0 : i32
        %dma_start3A_371 = tpu.memref_slice %arg12[%add3A_368, %dma_start3A_369, %dma_start3A_370] : memref<32x8x128xf32, #tpu.memory_space<vmem>> -> memref<1x8x128xf32, #tpu.memory_space<vmem>>
        %dma_start3A_372 = arith.constant 2 : i32
        %dma_start3A_373 = arith.constant 0 : i32
        %dma_start3A_374 = tpu.memref_slice %arg5[%dma_start3A_372, %dma_start3A_373, %multiple_of3A_334] : memref<4x8x1000000xf32, #tpu.memory_space<hbm>> -> memref<1x8x128xf32, #tpu.memory_space<hbm>>
        %dma_start3A_375 = tpu.memref_slice %arg15[%rem3A_29] : memref<2x!tpu.dma_semaphore, #tpu.memory_space<semaphore_mem>> -> memref<1x!tpu.dma_semaphore, #tpu.memory_space<semaphore_mem>>
        %dma_start3A_376 = tpu.memref_squeeze %dma_start3A_375 : memref<1x!tpu.dma_semaphore, #tpu.memory_space<semaphore_mem>> -> memref<!tpu.dma_semaphore, #tpu.memory_space<semaphore_mem>>
        %dma_start3A_377 = arith.constant 0 : i32
        %dma_start3A_378 = arith.constant 0 : i32
        %dma_start3A_379 = tpu.memref_slice %arg12[%add3A_368, %dma_start3A_377, %dma_start3A_378] : memref<32x8x128xf32, #tpu.memory_space<vmem>> -> memref<1x8x128xf32, #tpu.memory_space<vmem>>
        %dma_start3A_380 = arith.constant 2 : i32
        %dma_start3A_381 = arith.constant 0 : i32
        %dma_start3A_382 = tpu.memref_slice %arg5[%dma_start3A_380, %dma_start3A_381, %multiple_of3A_334] : memref<4x8x1000000xf32, #tpu.memory_space<hbm>> -> memref<1x8x128xf32, #tpu.memory_space<hbm>>
        tpu.enqueue_dma source(%dma_start3A_382 : memref<1x8x128xf32, #tpu.memory_space<hbm>>) target(%dma_start3A_379 : memref<1x8x128xf32, #tpu.memory_space<vmem>>) target_semaphore(%dma_start3A_376 : memref<!tpu.dma_semaphore, #tpu.memory_space<semaphore_mem>>)
        %add3A_383 = arith.constant 24 : i32
        %add3A_384 = arith.addi %add3A_383, %add3A_256 : i32
        %dma_start3A_385 = arith.constant 0 : i32
        %dma_start3A_386 = arith.constant 0 : i32
        %dma_start3A_387 = tpu.memref_slice %arg12[%add3A_384, %dma_start3A_385, %dma_start3A_386] : memref<32x8x128xf32, #tpu.memory_space<vmem>> -> memref<1x8x128xf32, #tpu.memory_space<vmem>>
        %dma_start3A_388 = arith.constant 3 : i32
        %dma_start3A_389 = arith.constant 0 : i32
        %dma_start3A_390 = tpu.memref_slice %arg5[%dma_start3A_388, %dma_start3A_389, %multiple_of3A_334] : memref<4x8x1000000xf32, #tpu.memory_space<hbm>> -> memref<1x8x128xf32, #tpu.memory_space<hbm>>
        %dma_start3A_391 = tpu.memref_slice %arg15[%rem3A_29] : memref<2x!tpu.dma_semaphore, #tpu.memory_space<semaphore_mem>> -> memref<1x!tpu.dma_semaphore, #tpu.memory_space<semaphore_mem>>
        %dma_start3A_392 = tpu.memref_squeeze %dma_start3A_391 : memref<1x!tpu.dma_semaphore, #tpu.memory_space<semaphore_mem>> -> memref<!tpu.dma_semaphore, #tpu.memory_space<semaphore_mem>>
        %dma_start3A_393 = arith.constant 0 : i32
        %dma_start3A_394 = arith.constant 0 : i32
        %dma_start3A_395 = tpu.memref_slice %arg12[%add3A_384, %dma_start3A_393, %dma_start3A_394] : memref<32x8x128xf32, #tpu.memory_space<vmem>> -> memref<1x8x128xf32, #tpu.memory_space<vmem>>
        %dma_start3A_396 = arith.constant 3 : i32
        %dma_start3A_397 = arith.constant 0 : i32
        %dma_start3A_398 = tpu.memref_slice %arg5[%dma_start3A_396, %dma_start3A_397, %multiple_of3A_334] : memref<4x8x1000000xf32, #tpu.memory_space<hbm>> -> memref<1x8x128xf32, #tpu.memory_space<hbm>>
        tpu.enqueue_dma source(%dma_start3A_398 : memref<1x8x128xf32, #tpu.memory_space<hbm>>) target(%dma_start3A_395 : memref<1x8x128xf32, #tpu.memory_space<vmem>>) target_semaphore(%dma_start3A_392 : memref<!tpu.dma_semaphore, #tpu.memory_space<semaphore_mem>>)
        %slice3A_399 = vector.extract_strided_slice %get3A_40 {offsets = [1], sizes = [1], strides = [1]} : vector<16xi32> to vector<1xi32>
        %squeeze3A_400 = vector.extract %slice3A_399[0] : i32 from vector<1xi32>
        %shift_right_arithmetic3A_401 = arith.constant 7 : i32
        %shift_right_arithmetic3A_402 = arith.shrsi %squeeze3A_400, %shift_right_arithmetic3A_401 : i32
        %shift_left3A_403 = arith.constant 7 : i32
        %shift_left3A_404 = arith.shli %shift_right_arithmetic3A_402, %shift_left3A_403 : i32
        %multiple_of3A_405 = tpu.assume_multiple %shift_left3A_404, 128 : i32
        %add3A_406 = arith.constant 0 : i32
        %add3A_407 = arith.addi %add3A_406, %add3A_256 : i32
        %dma_start3A_408 = arith.constant 0 : i32
        %dma_start3A_409 = arith.constant 0 : i32
        %dma_start3A_410 = tpu.memref_slice %arg13[%add3A_407, %dma_start3A_408, %dma_start3A_409] : memref<32x8x128xf32, #tpu.memory_space<vmem>> -> memref<1x8x128xf32, #tpu.memory_space<vmem>>
        %dma_start3A_411 = arith.constant 0 : i32
        %dma_start3A_412 = arith.constant 0 : i32
        %dma_start3A_413 = tpu.memref_slice %arg5[%dma_start3A_411, %dma_start3A_412, %multiple_of3A_405] : memref<4x8x1000000xf32, #tpu.memory_space<hbm>> -> memref<1x8x128xf32, #tpu.memory_space<hbm>>
        %dma_start3A_414 = tpu.memref_slice %arg15[%rem3A_29] : memref<2x!tpu.dma_semaphore, #tpu.memory_space<semaphore_mem>> -> memref<1x!tpu.dma_semaphore, #tpu.memory_space<semaphore_mem>>
        %dma_start3A_415 = tpu.memref_squeeze %dma_start3A_414 : memref<1x!tpu.dma_semaphore, #tpu.memory_space<semaphore_mem>> -> memref<!tpu.dma_semaphore, #tpu.memory_space<semaphore_mem>>
        %dma_start3A_416 = arith.constant 0 : i32
        %dma_start3A_417 = arith.constant 0 : i32
        %dma_start3A_418 = tpu.memref_slice %arg13[%add3A_407, %dma_start3A_416, %dma_start3A_417] : memref<32x8x128xf32, #tpu.memory_space<vmem>> -> memref<1x8x128xf32, #tpu.memory_space<vmem>>
        %dma_start3A_419 = arith.constant 0 : i32
        %dma_start3A_420 = arith.constant 0 : i32
        %dma_start3A_421 = tpu.memref_slice %arg5[%dma_start3A_419, %dma_start3A_420, %multiple_of3A_405] : memref<4x8x1000000xf32, #tpu.memory_space<hbm>> -> memref<1x8x128xf32, #tpu.memory_space<hbm>>
        tpu.enqueue_dma source(%dma_start3A_421 : memref<1x8x128xf32, #tpu.memory_space<hbm>>) target(%dma_start3A_418 : memref<1x8x128xf32, #tpu.memory_space<vmem>>) target_semaphore(%dma_start3A_415 : memref<!tpu.dma_semaphore, #tpu.memory_space<semaphore_mem>>)
        %add3A_422 = arith.constant 8 : i32
        %add3A_423 = arith.addi %add3A_422, %add3A_256 : i32
        %dma_start3A_424 = arith.constant 0 : i32
        %dma_start3A_425 = arith.constant 0 : i32
        %dma_start3A_426 = tpu.memref_slice %arg13[%add3A_423, %dma_start3A_424, %dma_start3A_425] : memref<32x8x128xf32, #tpu.memory_space<vmem>> -> memref<1x8x128xf32, #tpu.memory_space<vmem>>
        %dma_start3A_427 = arith.constant 1 : i32
        %dma_start3A_428 = arith.constant 0 : i32
        %dma_start3A_429 = tpu.memref_slice %arg5[%dma_start3A_427, %dma_start3A_428, %multiple_of3A_405] : memref<4x8x1000000xf32, #tpu.memory_space<hbm>> -> memref<1x8x128xf32, #tpu.memory_space<hbm>>
        %dma_start3A_430 = tpu.memref_slice %arg15[%rem3A_29] : memref<2x!tpu.dma_semaphore, #tpu.memory_space<semaphore_mem>> -> memref<1x!tpu.dma_semaphore, #tpu.memory_space<semaphore_mem>>
        %dma_start3A_431 = tpu.memref_squeeze %dma_start3A_430 : memref<1x!tpu.dma_semaphore, #tpu.memory_space<semaphore_mem>> -> memref<!tpu.dma_semaphore, #tpu.memory_space<semaphore_mem>>
        %dma_start3A_432 = arith.constant 0 : i32
        %dma_start3A_433 = arith.constant 0 : i32
        %dma_start3A_434 = tpu.memref_slice %arg13[%add3A_423, %dma_start3A_432, %dma_start3A_433] : memref<32x8x128xf32, #tpu.memory_space<vmem>> -> memref<1x8x128xf32, #tpu.memory_space<vmem>>
        %dma_start3A_435 = arith.constant 1 : i32
        %dma_start3A_436 = arith.constant 0 : i32
        %dma_start3A_437 = tpu.memref_slice %arg5[%dma_start3A_435, %dma_start3A_436, %multiple_of3A_405] : memref<4x8x1000000xf32, #tpu.memory_space<hbm>> -> memref<1x8x128xf32, #tpu.memory_space<hbm>>
        tpu.enqueue_dma source(%dma_start3A_437 : memref<1x8x128xf32, #tpu.memory_space<hbm>>) target(%dma_start3A_434 : memref<1x8x128xf32, #tpu.memory_space<vmem>>) target_semaphore(%dma_start3A_431 : memref<!tpu.dma_semaphore, #tpu.memory_space<semaphore_mem>>)
        %add3A_438 = arith.constant 16 : i32
        %add3A_439 = arith.addi %add3A_438, %add3A_256 : i32
        %dma_start3A_440 = arith.constant 0 : i32
        %dma_start3A_441 = arith.constant 0 : i32
        %dma_start3A_442 = tpu.memref_slice %arg13[%add3A_439, %dma_start3A_440, %dma_start3A_441] : memref<32x8x128xf32, #tpu.memory_space<vmem>> -> memref<1x8x128xf32, #tpu.memory_space<vmem>>
        %dma_start3A_443 = arith.constant 2 : i32
        %dma_start3A_444 = arith.constant 0 : i32
        %dma_start3A_445 = tpu.memref_slice %arg5[%dma_start3A_443, %dma_start3A_444, %multiple_of3A_405] : memref<4x8x1000000xf32, #tpu.memory_space<hbm>> -> memref<1x8x128xf32, #tpu.memory_space<hbm>>
        %dma_start3A_446 = tpu.memref_slice %arg15[%rem3A_29] : memref<2x!tpu.dma_semaphore, #tpu.memory_space<semaphore_mem>> -> memref<1x!tpu.dma_semaphore, #tpu.memory_space<semaphore_mem>>
        %dma_start3A_447 = tpu.memref_squeeze %dma_start3A_446 : memref<1x!tpu.dma_semaphore, #tpu.memory_space<semaphore_mem>> -> memref<!tpu.dma_semaphore, #tpu.memory_space<semaphore_mem>>
        %dma_start3A_448 = arith.constant 0 : i32
        %dma_start3A_449 = arith.constant 0 : i32
        %dma_start3A_450 = tpu.memref_slice %arg13[%add3A_439, %dma_start3A_448, %dma_start3A_449] : memref<32x8x128xf32, #tpu.memory_space<vmem>> -> memref<1x8x128xf32, #tpu.memory_space<vmem>>
        %dma_start3A_451 = arith.constant 2 : i32
        %dma_start3A_452 = arith.constant 0 : i32
        %dma_start3A_453 = tpu.memref_slice %arg5[%dma_start3A_451, %dma_start3A_452, %multiple_of3A_405] : memref<4x8x1000000xf32, #tpu.memory_space<hbm>> -> memref<1x8x128xf32, #tpu.memory_space<hbm>>
        tpu.enqueue_dma source(%dma_start3A_453 : memref<1x8x128xf32, #tpu.memory_space<hbm>>) target(%dma_start3A_450 : memref<1x8x128xf32, #tpu.memory_space<vmem>>) target_semaphore(%dma_start3A_447 : memref<!tpu.dma_semaphore, #tpu.memory_space<semaphore_mem>>)
        %add3A_454 = arith.constant 24 : i32
        %add3A_455 = arith.addi %add3A_454, %add3A_256 : i32
        %dma_start3A_456 = arith.constant 0 : i32
        %dma_start3A_457 = arith.constant 0 : i32
        %dma_start3A_458 = tpu.memref_slice %arg13[%add3A_455, %dma_start3A_456, %dma_start3A_457] : memref<32x8x128xf32, #tpu.memory_space<vmem>> -> memref<1x8x128xf32, #tpu.memory_space<vmem>>
        %dma_start3A_459 = arith.constant 3 : i32
        %dma_start3A_460 = arith.constant 0 : i32
        %dma_start3A_461 = tpu.memref_slice %arg5[%dma_start3A_459, %dma_start3A_460, %multiple_of3A_405] : memref<4x8x1000000xf32, #tpu.memory_space<hbm>> -> memref<1x8x128xf32, #tpu.memory_space<hbm>>
        %dma_start3A_462 = tpu.memref_slice %arg15[%rem3A_29] : memref<2x!tpu.dma_semaphore, #tpu.memory_space<semaphore_mem>> -> memref<1x!tpu.dma_semaphore, #tpu.memory_space<semaphore_mem>>
        %dma_start3A_463 = tpu.memref_squeeze %dma_start3A_462 : memref<1x!tpu.dma_semaphore, #tpu.memory_space<semaphore_mem>> -> memref<!tpu.dma_semaphore, #tpu.memory_space<semaphore_mem>>
        %dma_start3A_464 = arith.constant 0 : i32
        %dma_start3A_465 = arith.constant 0 : i32
        %dma_start3A_466 = tpu.memref_slice %arg13[%add3A_455, %dma_start3A_464, %dma_start3A_465] : memref<32x8x128xf32, #tpu.memory_space<vmem>> -> memref<1x8x128xf32, #tpu.memory_space<vmem>>
        %dma_start3A_467 = arith.constant 3 : i32
        %dma_start3A_468 = arith.constant 0 : i32
        %dma_start3A_469 = tpu.memref_slice %arg5[%dma_start3A_467, %dma_start3A_468, %multiple_of3A_405] : memref<4x8x1000000xf32, #tpu.memory_space<hbm>> -> memref<1x8x128xf32, #tpu.memory_space<hbm>>
        tpu.enqueue_dma source(%dma_start3A_469 : memref<1x8x128xf32, #tpu.memory_space<hbm>>) target(%dma_start3A_466 : memref<1x8x128xf32, #tpu.memory_space<vmem>>) target_semaphore(%dma_start3A_463 : memref<!tpu.dma_semaphore, #tpu.memory_space<semaphore_mem>>)
        %mul3A_470 = arith.constant 4 : i32
        %mul3A_471 = arith.muli %rem3A_29, %mul3A_470 : i32
        %add3A_472 = arith.constant 2 : i32
        %add3A_473 = arith.addi %mul3A_471, %add3A_472 : i32
        %slice3A_474 = vector.extract_strided_slice %get3A_32 {offsets = [2], sizes = [1], strides = [1]} : vector<16xi32> to vector<1xi32>
        %squeeze3A_475 = vector.extract %slice3A_474[0] : i32 from vector<1xi32>
        %shift_right_arithmetic3A_476 = arith.constant 7 : i32
        %shift_right_arithmetic3A_477 = arith.shrsi %squeeze3A_475, %shift_right_arithmetic3A_476 : i32
        %shift_left3A_478 = arith.constant 7 : i32
        %shift_left3A_479 = arith.shli %shift_right_arithmetic3A_477, %shift_left3A_478 : i32
        %multiple_of3A_480 = tpu.assume_multiple %shift_left3A_479, 128 : i32
        %add3A_481 = arith.constant 0 : i32
        %add3A_482 = arith.addi %add3A_481, %add3A_473 : i32
        %dma_start3A_483 = arith.constant 0 : i32
        %dma_start3A_484 = arith.constant 0 : i32
        %dma_start3A_485 = tpu.memref_slice %arg11[%add3A_482, %dma_start3A_483, %dma_start3A_484] : memref<32x8x128xf32, #tpu.memory_space<vmem>> -> memref<1x8x128xf32, #tpu.memory_space<vmem>>
        %dma_start3A_486 = arith.constant 0 : i32
        %dma_start3A_487 = arith.constant 0 : i32
        %dma_start3A_488 = tpu.memref_slice %arg6[%dma_start3A_486, %dma_start3A_487, %multiple_of3A_480] : memref<4x8x1000000xf32, #tpu.memory_space<hbm>> -> memref<1x8x128xf32, #tpu.memory_space<hbm>>
        %dma_start3A_489 = tpu.memref_slice %arg15[%rem3A_29] : memref<2x!tpu.dma_semaphore, #tpu.memory_space<semaphore_mem>> -> memref<1x!tpu.dma_semaphore, #tpu.memory_space<semaphore_mem>>
        %dma_start3A_490 = tpu.memref_squeeze %dma_start3A_489 : memref<1x!tpu.dma_semaphore, #tpu.memory_space<semaphore_mem>> -> memref<!tpu.dma_semaphore, #tpu.memory_space<semaphore_mem>>
        %dma_start3A_491 = arith.constant 0 : i32
        %dma_start3A_492 = arith.constant 0 : i32
        %dma_start3A_493 = tpu.memref_slice %arg11[%add3A_482, %dma_start3A_491, %dma_start3A_492] : memref<32x8x128xf32, #tpu.memory_space<vmem>> -> memref<1x8x128xf32, #tpu.memory_space<vmem>>
        %dma_start3A_494 = arith.constant 0 : i32
        %dma_start3A_495 = arith.constant 0 : i32
        %dma_start3A_496 = tpu.memref_slice %arg6[%dma_start3A_494, %dma_start3A_495, %multiple_of3A_480] : memref<4x8x1000000xf32, #tpu.memory_space<hbm>> -> memref<1x8x128xf32, #tpu.memory_space<hbm>>
        tpu.enqueue_dma source(%dma_start3A_496 : memref<1x8x128xf32, #tpu.memory_space<hbm>>) target(%dma_start3A_493 : memref<1x8x128xf32, #tpu.memory_space<vmem>>) target_semaphore(%dma_start3A_490 : memref<!tpu.dma_semaphore, #tpu.memory_space<semaphore_mem>>)
        %add3A_497 = arith.constant 8 : i32
        %add3A_498 = arith.addi %add3A_497, %add3A_473 : i32
        %dma_start3A_499 = arith.constant 0 : i32
        %dma_start3A_500 = arith.constant 0 : i32
        %dma_start3A_501 = tpu.memref_slice %arg11[%add3A_498, %dma_start3A_499, %dma_start3A_500] : memref<32x8x128xf32, #tpu.memory_space<vmem>> -> memref<1x8x128xf32, #tpu.memory_space<vmem>>
        %dma_start3A_502 = arith.constant 1 : i32
        %dma_start3A_503 = arith.constant 0 : i32
        %dma_start3A_504 = tpu.memref_slice %arg6[%dma_start3A_502, %dma_start3A_503, %multiple_of3A_480] : memref<4x8x1000000xf32, #tpu.memory_space<hbm>> -> memref<1x8x128xf32, #tpu.memory_space<hbm>>
        %dma_start3A_505 = tpu.memref_slice %arg15[%rem3A_29] : memref<2x!tpu.dma_semaphore, #tpu.memory_space<semaphore_mem>> -> memref<1x!tpu.dma_semaphore, #tpu.memory_space<semaphore_mem>>
        %dma_start3A_506 = tpu.memref_squeeze %dma_start3A_505 : memref<1x!tpu.dma_semaphore, #tpu.memory_space<semaphore_mem>> -> memref<!tpu.dma_semaphore, #tpu.memory_space<semaphore_mem>>
        %dma_start3A_507 = arith.constant 0 : i32
        %dma_start3A_508 = arith.constant 0 : i32
        %dma_start3A_509 = tpu.memref_slice %arg11[%add3A_498, %dma_start3A_507, %dma_start3A_508] : memref<32x8x128xf32, #tpu.memory_space<vmem>> -> memref<1x8x128xf32, #tpu.memory_space<vmem>>
        %dma_start3A_510 = arith.constant 1 : i32
        %dma_start3A_511 = arith.constant 0 : i32
        %dma_start3A_512 = tpu.memref_slice %arg6[%dma_start3A_510, %dma_start3A_511, %multiple_of3A_480] : memref<4x8x1000000xf32, #tpu.memory_space<hbm>> -> memref<1x8x128xf32, #tpu.memory_space<hbm>>
        tpu.enqueue_dma source(%dma_start3A_512 : memref<1x8x128xf32, #tpu.memory_space<hbm>>) target(%dma_start3A_509 : memref<1x8x128xf32, #tpu.memory_space<vmem>>) target_semaphore(%dma_start3A_506 : memref<!tpu.dma_semaphore, #tpu.memory_space<semaphore_mem>>)
        %add3A_513 = arith.constant 16 : i32
        %add3A_514 = arith.addi %add3A_513, %add3A_473 : i32
        %dma_start3A_515 = arith.constant 0 : i32
        %dma_start3A_516 = arith.constant 0 : i32
        %dma_start3A_517 = tpu.memref_slice %arg11[%add3A_514, %dma_start3A_515, %dma_start3A_516] : memref<32x8x128xf32, #tpu.memory_space<vmem>> -> memref<1x8x128xf32, #tpu.memory_space<vmem>>
        %dma_start3A_518 = arith.constant 2 : i32
        %dma_start3A_519 = arith.constant 0 : i32
        %dma_start3A_520 = tpu.memref_slice %arg6[%dma_start3A_518, %dma_start3A_519, %multiple_of3A_480] : memref<4x8x1000000xf32, #tpu.memory_space<hbm>> -> memref<1x8x128xf32, #tpu.memory_space<hbm>>
        %dma_start3A_521 = tpu.memref_slice %arg15[%rem3A_29] : memref<2x!tpu.dma_semaphore, #tpu.memory_space<semaphore_mem>> -> memref<1x!tpu.dma_semaphore, #tpu.memory_space<semaphore_mem>>
        %dma_start3A_522 = tpu.memref_squeeze %dma_start3A_521 : memref<1x!tpu.dma_semaphore, #tpu.memory_space<semaphore_mem>> -> memref<!tpu.dma_semaphore, #tpu.memory_space<semaphore_mem>>
        %dma_start3A_523 = arith.constant 0 : i32
        %dma_start3A_524 = arith.constant 0 : i32
        %dma_start3A_525 = tpu.memref_slice %arg11[%add3A_514, %dma_start3A_523, %dma_start3A_524] : memref<32x8x128xf32, #tpu.memory_space<vmem>> -> memref<1x8x128xf32, #tpu.memory_space<vmem>>
        %dma_start3A_526 = arith.constant 2 : i32
        %dma_start3A_527 = arith.constant 0 : i32
        %dma_start3A_528 = tpu.memref_slice %arg6[%dma_start3A_526, %dma_start3A_527, %multiple_of3A_480] : memref<4x8x1000000xf32, #tpu.memory_space<hbm>> -> memref<1x8x128xf32, #tpu.memory_space<hbm>>
        tpu.enqueue_dma source(%dma_start3A_528 : memref<1x8x128xf32, #tpu.memory_space<hbm>>) target(%dma_start3A_525 : memref<1x8x128xf32, #tpu.memory_space<vmem>>) target_semaphore(%dma_start3A_522 : memref<!tpu.dma_semaphore, #tpu.memory_space<semaphore_mem>>)
        %add3A_529 = arith.constant 24 : i32
        %add3A_530 = arith.addi %add3A_529, %add3A_473 : i32
        %dma_start3A_531 = arith.constant 0 : i32
        %dma_start3A_532 = arith.constant 0 : i32
        %dma_start3A_533 = tpu.memref_slice %arg11[%add3A_530, %dma_start3A_531, %dma_start3A_532] : memref<32x8x128xf32, #tpu.memory_space<vmem>> -> memref<1x8x128xf32, #tpu.memory_space<vmem>>
        %dma_start3A_534 = arith.constant 3 : i32
        %dma_start3A_535 = arith.constant 0 : i32
        %dma_start3A_536 = tpu.memref_slice %arg6[%dma_start3A_534, %dma_start3A_535, %multiple_of3A_480] : memref<4x8x1000000xf32, #tpu.memory_space<hbm>> -> memref<1x8x128xf32, #tpu.memory_space<hbm>>
        %dma_start3A_537 = tpu.memref_slice %arg15[%rem3A_29] : memref<2x!tpu.dma_semaphore, #tpu.memory_space<semaphore_mem>> -> memref<1x!tpu.dma_semaphore, #tpu.memory_space<semaphore_mem>>
        %dma_start3A_538 = tpu.memref_squeeze %dma_start3A_537 : memref<1x!tpu.dma_semaphore, #tpu.memory_space<semaphore_mem>> -> memref<!tpu.dma_semaphore, #tpu.memory_space<semaphore_mem>>
        %dma_start3A_539 = arith.constant 0 : i32
        %dma_start3A_540 = arith.constant 0 : i32
        %dma_start3A_541 = tpu.memref_slice %arg11[%add3A_530, %dma_start3A_539, %dma_start3A_540] : memref<32x8x128xf32, #tpu.memory_space<vmem>> -> memref<1x8x128xf32, #tpu.memory_space<vmem>>
        %dma_start3A_542 = arith.constant 3 : i32
        %dma_start3A_543 = arith.constant 0 : i32
        %dma_start3A_544 = tpu.memref_slice %arg6[%dma_start3A_542, %dma_start3A_543, %multiple_of3A_480] : memref<4x8x1000000xf32, #tpu.memory_space<hbm>> -> memref<1x8x128xf32, #tpu.memory_space<hbm>>
        tpu.enqueue_dma source(%dma_start3A_544 : memref<1x8x128xf32, #tpu.memory_space<hbm>>) target(%dma_start3A_541 : memref<1x8x128xf32, #tpu.memory_space<vmem>>) target_semaphore(%dma_start3A_538 : memref<!tpu.dma_semaphore, #tpu.memory_space<semaphore_mem>>)
        %slice3A_545 = vector.extract_strided_slice %get3A_36 {offsets = [2], sizes = [1], strides = [1]} : vector<16xi32> to vector<1xi32>
        %squeeze3A_546 = vector.extract %slice3A_545[0] : i32 from vector<1xi32>
        %shift_right_arithmetic3A_547 = arith.constant 7 : i32
        %shift_right_arithmetic3A_548 = arith.shrsi %squeeze3A_546, %shift_right_arithmetic3A_547 : i32
        %shift_left3A_549 = arith.constant 7 : i32
        %shift_left3A_550 = arith.shli %shift_right_arithmetic3A_548, %shift_left3A_549 : i32
        %multiple_of3A_551 = tpu.assume_multiple %shift_left3A_550, 128 : i32
        %add3A_552 = arith.constant 0 : i32
        %add3A_553 = arith.addi %add3A_552, %add3A_473 : i32
        %dma_start3A_554 = arith.constant 0 : i32
        %dma_start3A_555 = arith.constant 0 : i32
        %dma_start3A_556 = tpu.memref_slice %arg12[%add3A_553, %dma_start3A_554, %dma_start3A_555] : memref<32x8x128xf32, #tpu.memory_space<vmem>> -> memref<1x8x128xf32, #tpu.memory_space<vmem>>
        %dma_start3A_557 = arith.constant 0 : i32
        %dma_start3A_558 = arith.constant 0 : i32
        %dma_start3A_559 = tpu.memref_slice %arg5[%dma_start3A_557, %dma_start3A_558, %multiple_of3A_551] : memref<4x8x1000000xf32, #tpu.memory_space<hbm>> -> memref<1x8x128xf32, #tpu.memory_space<hbm>>
        %dma_start3A_560 = tpu.memref_slice %arg15[%rem3A_29] : memref<2x!tpu.dma_semaphore, #tpu.memory_space<semaphore_mem>> -> memref<1x!tpu.dma_semaphore, #tpu.memory_space<semaphore_mem>>
        %dma_start3A_561 = tpu.memref_squeeze %dma_start3A_560 : memref<1x!tpu.dma_semaphore, #tpu.memory_space<semaphore_mem>> -> memref<!tpu.dma_semaphore, #tpu.memory_space<semaphore_mem>>
        %dma_start3A_562 = arith.constant 0 : i32
        %dma_start3A_563 = arith.constant 0 : i32
        %dma_start3A_564 = tpu.memref_slice %arg12[%add3A_553, %dma_start3A_562, %dma_start3A_563] : memref<32x8x128xf32, #tpu.memory_space<vmem>> -> memref<1x8x128xf32, #tpu.memory_space<vmem>>
        %dma_start3A_565 = arith.constant 0 : i32
        %dma_start3A_566 = arith.constant 0 : i32
        %dma_start3A_567 = tpu.memref_slice %arg5[%dma_start3A_565, %dma_start3A_566, %multiple_of3A_551] : memref<4x8x1000000xf32, #tpu.memory_space<hbm>> -> memref<1x8x128xf32, #tpu.memory_space<hbm>>
        tpu.enqueue_dma source(%dma_start3A_567 : memref<1x8x128xf32, #tpu.memory_space<hbm>>) target(%dma_start3A_564 : memref<1x8x128xf32, #tpu.memory_space<vmem>>) target_semaphore(%dma_start3A_561 : memref<!tpu.dma_semaphore, #tpu.memory_space<semaphore_mem>>)
        %add3A_568 = arith.constant 8 : i32
        %add3A_569 = arith.addi %add3A_568, %add3A_473 : i32
        %dma_start3A_570 = arith.constant 0 : i32
        %dma_start3A_571 = arith.constant 0 : i32
        %dma_start3A_572 = tpu.memref_slice %arg12[%add3A_569, %dma_start3A_570, %dma_start3A_571] : memref<32x8x128xf32, #tpu.memory_space<vmem>> -> memref<1x8x128xf32, #tpu.memory_space<vmem>>
        %dma_start3A_573 = arith.constant 1 : i32
        %dma_start3A_574 = arith.constant 0 : i32
        %dma_start3A_575 = tpu.memref_slice %arg5[%dma_start3A_573, %dma_start3A_574, %multiple_of3A_551] : memref<4x8x1000000xf32, #tpu.memory_space<hbm>> -> memref<1x8x128xf32, #tpu.memory_space<hbm>>
        %dma_start3A_576 = tpu.memref_slice %arg15[%rem3A_29] : memref<2x!tpu.dma_semaphore, #tpu.memory_space<semaphore_mem>> -> memref<1x!tpu.dma_semaphore, #tpu.memory_space<semaphore_mem>>
        %dma_start3A_577 = tpu.memref_squeeze %dma_start3A_576 : memref<1x!tpu.dma_semaphore, #tpu.memory_space<semaphore_mem>> -> memref<!tpu.dma_semaphore, #tpu.memory_space<semaphore_mem>>
        %dma_start3A_578 = arith.constant 0 : i32
        %dma_start3A_579 = arith.constant 0 : i32
        %dma_start3A_580 = tpu.memref_slice %arg12[%add3A_569, %dma_start3A_578, %dma_start3A_579] : memref<32x8x128xf32, #tpu.memory_space<vmem>> -> memref<1x8x128xf32, #tpu.memory_space<vmem>>
        %dma_start3A_581 = arith.constant 1 : i32
        %dma_start3A_582 = arith.constant 0 : i32
        %dma_start3A_583 = tpu.memref_slice %arg5[%dma_start3A_581, %dma_start3A_582, %multiple_of3A_551] : memref<4x8x1000000xf32, #tpu.memory_space<hbm>> -> memref<1x8x128xf32, #tpu.memory_space<hbm>>
        tpu.enqueue_dma source(%dma_start3A_583 : memref<1x8x128xf32, #tpu.memory_space<hbm>>) target(%dma_start3A_580 : memref<1x8x128xf32, #tpu.memory_space<vmem>>) target_semaphore(%dma_start3A_577 : memref<!tpu.dma_semaphore, #tpu.memory_space<semaphore_mem>>)
        %add3A_584 = arith.constant 16 : i32
        %add3A_585 = arith.addi %add3A_584, %add3A_473 : i32
        %dma_start3A_586 = arith.constant 0 : i32
        %dma_start3A_587 = arith.constant 0 : i32
        %dma_start3A_588 = tpu.memref_slice %arg12[%add3A_585, %dma_start3A_586, %dma_start3A_587] : memref<32x8x128xf32, #tpu.memory_space<vmem>> -> memref<1x8x128xf32, #tpu.memory_space<vmem>>
        %dma_start3A_589 = arith.constant 2 : i32
        %dma_start3A_590 = arith.constant 0 : i32
        %dma_start3A_591 = tpu.memref_slice %arg5[%dma_start3A_589, %dma_start3A_590, %multiple_of3A_551] : memref<4x8x1000000xf32, #tpu.memory_space<hbm>> -> memref<1x8x128xf32, #tpu.memory_space<hbm>>
        %dma_start3A_592 = tpu.memref_slice %arg15[%rem3A_29] : memref<2x!tpu.dma_semaphore, #tpu.memory_space<semaphore_mem>> -> memref<1x!tpu.dma_semaphore, #tpu.memory_space<semaphore_mem>>
        %dma_start3A_593 = tpu.memref_squeeze %dma_start3A_592 : memref<1x!tpu.dma_semaphore, #tpu.memory_space<semaphore_mem>> -> memref<!tpu.dma_semaphore, #tpu.memory_space<semaphore_mem>>
        %dma_start3A_594 = arith.constant 0 : i32
        %dma_start3A_595 = arith.constant 0 : i32
        %dma_start3A_596 = tpu.memref_slice %arg12[%add3A_585, %dma_start3A_594, %dma_start3A_595] : memref<32x8x128xf32, #tpu.memory_space<vmem>> -> memref<1x8x128xf32, #tpu.memory_space<vmem>>
        %dma_start3A_597 = arith.constant 2 : i32
        %dma_start3A_598 = arith.constant 0 : i32
        %dma_start3A_599 = tpu.memref_slice %arg5[%dma_start3A_597, %dma_start3A_598, %multiple_of3A_551] : memref<4x8x1000000xf32, #tpu.memory_space<hbm>> -> memref<1x8x128xf32, #tpu.memory_space<hbm>>
        tpu.enqueue_dma source(%dma_start3A_599 : memref<1x8x128xf32, #tpu.memory_space<hbm>>) target(%dma_start3A_596 : memref<1x8x128xf32, #tpu.memory_space<vmem>>) target_semaphore(%dma_start3A_593 : memref<!tpu.dma_semaphore, #tpu.memory_space<semaphore_mem>>)
        %add3A_600 = arith.constant 24 : i32
        %add3A_601 = arith.addi %add3A_600, %add3A_473 : i32
        %dma_start3A_602 = arith.constant 0 : i32
        %dma_start3A_603 = arith.constant 0 : i32
        %dma_start3A_604 = tpu.memref_slice %arg12[%add3A_601, %dma_start3A_602, %dma_start3A_603] : memref<32x8x128xf32, #tpu.memory_space<vmem>> -> memref<1x8x128xf32, #tpu.memory_space<vmem>>
        %dma_start3A_605 = arith.constant 3 : i32
        %dma_start3A_606 = arith.constant 0 : i32
        %dma_start3A_607 = tpu.memref_slice %arg5[%dma_start3A_605, %dma_start3A_606, %multiple_of3A_551] : memref<4x8x1000000xf32, #tpu.memory_space<hbm>> -> memref<1x8x128xf32, #tpu.memory_space<hbm>>
        %dma_start3A_608 = tpu.memref_slice %arg15[%rem3A_29] : memref<2x!tpu.dma_semaphore, #tpu.memory_space<semaphore_mem>> -> memref<1x!tpu.dma_semaphore, #tpu.memory_space<semaphore_mem>>
        %dma_start3A_609 = tpu.memref_squeeze %dma_start3A_608 : memref<1x!tpu.dma_semaphore, #tpu.memory_space<semaphore_mem>> -> memref<!tpu.dma_semaphore, #tpu.memory_space<semaphore_mem>>
        %dma_start3A_610 = arith.constant 0 : i32
        %dma_start3A_611 = arith.constant 0 : i32
        %dma_start3A_612 = tpu.memref_slice %arg12[%add3A_601, %dma_start3A_610, %dma_start3A_611] : memref<32x8x128xf32, #tpu.memory_space<vmem>> -> memref<1x8x128xf32, #tpu.memory_space<vmem>>
        %dma_start3A_613 = arith.constant 3 : i32
        %dma_start3A_614 = arith.constant 0 : i32
        %dma_start3A_615 = tpu.memref_slice %arg5[%dma_start3A_613, %dma_start3A_614, %multiple_of3A_551] : memref<4x8x1000000xf32, #tpu.memory_space<hbm>> -> memref<1x8x128xf32, #tpu.memory_space<hbm>>
        tpu.enqueue_dma source(%dma_start3A_615 : memref<1x8x128xf32, #tpu.memory_space<hbm>>) target(%dma_start3A_612 : memref<1x8x128xf32, #tpu.memory_space<vmem>>) target_semaphore(%dma_start3A_609 : memref<!tpu.dma_semaphore, #tpu.memory_space<semaphore_mem>>)
        %slice3A_616 = vector.extract_strided_slice %get3A_40 {offsets = [2], sizes = [1], strides = [1]} : vector<16xi32> to vector<1xi32>
        %squeeze3A_617 = vector.extract %slice3A_616[0] : i32 from vector<1xi32>
        %shift_right_arithmetic3A_618 = arith.constant 7 : i32
        %shift_right_arithmetic3A_619 = arith.shrsi %squeeze3A_617, %shift_right_arithmetic3A_618 : i32
        %shift_left3A_620 = arith.constant 7 : i32
        %shift_left3A_621 = arith.shli %shift_right_arithmetic3A_619, %shift_left3A_620 : i32
        %multiple_of3A_622 = tpu.assume_multiple %shift_left3A_621, 128 : i32
        %add3A_623 = arith.constant 0 : i32
        %add3A_624 = arith.addi %add3A_623, %add3A_473 : i32
        %dma_start3A_625 = arith.constant 0 : i32
        %dma_start3A_626 = arith.constant 0 : i32
        %dma_start3A_627 = tpu.memref_slice %arg13[%add3A_624, %dma_start3A_625, %dma_start3A_626] : memref<32x8x128xf32, #tpu.memory_space<vmem>> -> memref<1x8x128xf32, #tpu.memory_space<vmem>>
        %dma_start3A_628 = arith.constant 0 : i32
        %dma_start3A_629 = arith.constant 0 : i32
        %dma_start3A_630 = tpu.memref_slice %arg5[%dma_start3A_628, %dma_start3A_629, %multiple_of3A_622] : memref<4x8x1000000xf32, #tpu.memory_space<hbm>> -> memref<1x8x128xf32, #tpu.memory_space<hbm>>
        %dma_start3A_631 = tpu.memref_slice %arg15[%rem3A_29] : memref<2x!tpu.dma_semaphore, #tpu.memory_space<semaphore_mem>> -> memref<1x!tpu.dma_semaphore, #tpu.memory_space<semaphore_mem>>
        %dma_start3A_632 = tpu.memref_squeeze %dma_start3A_631 : memref<1x!tpu.dma_semaphore, #tpu.memory_space<semaphore_mem>> -> memref<!tpu.dma_semaphore, #tpu.memory_space<semaphore_mem>>
        %dma_start3A_633 = arith.constant 0 : i32
        %dma_start3A_634 = arith.constant 0 : i32
        %dma_start3A_635 = tpu.memref_slice %arg13[%add3A_624, %dma_start3A_633, %dma_start3A_634] : memref<32x8x128xf32, #tpu.memory_space<vmem>> -> memref<1x8x128xf32, #tpu.memory_space<vmem>>
        %dma_start3A_636 = arith.constant 0 : i32
        %dma_start3A_637 = arith.constant 0 : i32
        %dma_start3A_638 = tpu.memref_slice %arg5[%dma_start3A_636, %dma_start3A_637, %multiple_of3A_622] : memref<4x8x1000000xf32, #tpu.memory_space<hbm>> -> memref<1x8x128xf32, #tpu.memory_space<hbm>>
        tpu.enqueue_dma source(%dma_start3A_638 : memref<1x8x128xf32, #tpu.memory_space<hbm>>) target(%dma_start3A_635 : memref<1x8x128xf32, #tpu.memory_space<vmem>>) target_semaphore(%dma_start3A_632 : memref<!tpu.dma_semaphore, #tpu.memory_space<semaphore_mem>>)
        %add3A_639 = arith.constant 8 : i32
        %add3A_640 = arith.addi %add3A_639, %add3A_473 : i32
        %dma_start3A_641 = arith.constant 0 : i32
        %dma_start3A_642 = arith.constant 0 : i32
        %dma_start3A_643 = tpu.memref_slice %arg13[%add3A_640, %dma_start3A_641, %dma_start3A_642] : memref<32x8x128xf32, #tpu.memory_space<vmem>> -> memref<1x8x128xf32, #tpu.memory_space<vmem>>
        %dma_start3A_644 = arith.constant 1 : i32
        %dma_start3A_645 = arith.constant 0 : i32
        %dma_start3A_646 = tpu.memref_slice %arg5[%dma_start3A_644, %dma_start3A_645, %multiple_of3A_622] : memref<4x8x1000000xf32, #tpu.memory_space<hbm>> -> memref<1x8x128xf32, #tpu.memory_space<hbm>>
        %dma_start3A_647 = tpu.memref_slice %arg15[%rem3A_29] : memref<2x!tpu.dma_semaphore, #tpu.memory_space<semaphore_mem>> -> memref<1x!tpu.dma_semaphore, #tpu.memory_space<semaphore_mem>>
        %dma_start3A_648 = tpu.memref_squeeze %dma_start3A_647 : memref<1x!tpu.dma_semaphore, #tpu.memory_space<semaphore_mem>> -> memref<!tpu.dma_semaphore, #tpu.memory_space<semaphore_mem>>
        %dma_start3A_649 = arith.constant 0 : i32
        %dma_start3A_650 = arith.constant 0 : i32
        %dma_start3A_651 = tpu.memref_slice %arg13[%add3A_640, %dma_start3A_649, %dma_start3A_650] : memref<32x8x128xf32, #tpu.memory_space<vmem>> -> memref<1x8x128xf32, #tpu.memory_space<vmem>>
        %dma_start3A_652 = arith.constant 1 : i32
        %dma_start3A_653 = arith.constant 0 : i32
        %dma_start3A_654 = tpu.memref_slice %arg5[%dma_start3A_652, %dma_start3A_653, %multiple_of3A_622] : memref<4x8x1000000xf32, #tpu.memory_space<hbm>> -> memref<1x8x128xf32, #tpu.memory_space<hbm>>
        tpu.enqueue_dma source(%dma_start3A_654 : memref<1x8x128xf32, #tpu.memory_space<hbm>>) target(%dma_start3A_651 : memref<1x8x128xf32, #tpu.memory_space<vmem>>) target_semaphore(%dma_start3A_648 : memref<!tpu.dma_semaphore, #tpu.memory_space<semaphore_mem>>)
        %add3A_655 = arith.constant 16 : i32
        %add3A_656 = arith.addi %add3A_655, %add3A_473 : i32
        %dma_start3A_657 = arith.constant 0 : i32
        %dma_start3A_658 = arith.constant 0 : i32
        %dma_start3A_659 = tpu.memref_slice %arg13[%add3A_656, %dma_start3A_657, %dma_start3A_658] : memref<32x8x128xf32, #tpu.memory_space<vmem>> -> memref<1x8x128xf32, #tpu.memory_space<vmem>>
        %dma_start3A_660 = arith.constant 2 : i32
        %dma_start3A_661 = arith.constant 0 : i32
        %dma_start3A_662 = tpu.memref_slice %arg5[%dma_start3A_660, %dma_start3A_661, %multiple_of3A_622] : memref<4x8x1000000xf32, #tpu.memory_space<hbm>> -> memref<1x8x128xf32, #tpu.memory_space<hbm>>
        %dma_start3A_663 = tpu.memref_slice %arg15[%rem3A_29] : memref<2x!tpu.dma_semaphore, #tpu.memory_space<semaphore_mem>> -> memref<1x!tpu.dma_semaphore, #tpu.memory_space<semaphore_mem>>
        %dma_start3A_664 = tpu.memref_squeeze %dma_start3A_663 : memref<1x!tpu.dma_semaphore, #tpu.memory_space<semaphore_mem>> -> memref<!tpu.dma_semaphore, #tpu.memory_space<semaphore_mem>>
        %dma_start3A_665 = arith.constant 0 : i32
        %dma_start3A_666 = arith.constant 0 : i32
        %dma_start3A_667 = tpu.memref_slice %arg13[%add3A_656, %dma_start3A_665, %dma_start3A_666] : memref<32x8x128xf32, #tpu.memory_space<vmem>> -> memref<1x8x128xf32, #tpu.memory_space<vmem>>
        %dma_start3A_668 = arith.constant 2 : i32
        %dma_start3A_669 = arith.constant 0 : i32
        %dma_start3A_670 = tpu.memref_slice %arg5[%dma_start3A_668, %dma_start3A_669, %multiple_of3A_622] : memref<4x8x1000000xf32, #tpu.memory_space<hbm>> -> memref<1x8x128xf32, #tpu.memory_space<hbm>>
        tpu.enqueue_dma source(%dma_start3A_670 : memref<1x8x128xf32, #tpu.memory_space<hbm>>) target(%dma_start3A_667 : memref<1x8x128xf32, #tpu.memory_space<vmem>>) target_semaphore(%dma_start3A_664 : memref<!tpu.dma_semaphore, #tpu.memory_space<semaphore_mem>>)
        %add3A_671 = arith.constant 24 : i32
        %add3A_672 = arith.addi %add3A_671, %add3A_473 : i32
        %dma_start3A_673 = arith.constant 0 : i32
        %dma_start3A_674 = arith.constant 0 : i32
        %dma_start3A_675 = tpu.memref_slice %arg13[%add3A_672, %dma_start3A_673, %dma_start3A_674] : memref<32x8x128xf32, #tpu.memory_space<vmem>> -> memref<1x8x128xf32, #tpu.memory_space<vmem>>
        %dma_start3A_676 = arith.constant 3 : i32
        %dma_start3A_677 = arith.constant 0 : i32
        %dma_start3A_678 = tpu.memref_slice %arg5[%dma_start3A_676, %dma_start3A_677, %multiple_of3A_622] : memref<4x8x1000000xf32, #tpu.memory_space<hbm>> -> memref<1x8x128xf32, #tpu.memory_space<hbm>>
        %dma_start3A_679 = tpu.memref_slice %arg15[%rem3A_29] : memref<2x!tpu.dma_semaphore, #tpu.memory_space<semaphore_mem>> -> memref<1x!tpu.dma_semaphore, #tpu.memory_space<semaphore_mem>>
        %dma_start3A_680 = tpu.memref_squeeze %dma_start3A_679 : memref<1x!tpu.dma_semaphore, #tpu.memory_space<semaphore_mem>> -> memref<!tpu.dma_semaphore, #tpu.memory_space<semaphore_mem>>
        %dma_start3A_681 = arith.constant 0 : i32
        %dma_start3A_682 = arith.constant 0 : i32
        %dma_start3A_683 = tpu.memref_slice %arg13[%add3A_672, %dma_start3A_681, %dma_start3A_682] : memref<32x8x128xf32, #tpu.memory_space<vmem>> -> memref<1x8x128xf32, #tpu.memory_space<vmem>>
        %dma_start3A_684 = arith.constant 3 : i32
        %dma_start3A_685 = arith.constant 0 : i32
        %dma_start3A_686 = tpu.memref_slice %arg5[%dma_start3A_684, %dma_start3A_685, %multiple_of3A_622] : memref<4x8x1000000xf32, #tpu.memory_space<hbm>> -> memref<1x8x128xf32, #tpu.memory_space<hbm>>
        tpu.enqueue_dma source(%dma_start3A_686 : memref<1x8x128xf32, #tpu.memory_space<hbm>>) target(%dma_start3A_683 : memref<1x8x128xf32, #tpu.memory_space<vmem>>) target_semaphore(%dma_start3A_680 : memref<!tpu.dma_semaphore, #tpu.memory_space<semaphore_mem>>)
        %mul3A_687 = arith.constant 4 : i32
        %mul3A_688 = arith.muli %rem3A_29, %mul3A_687 : i32
        %add3A_689 = arith.constant 3 : i32
        %add3A_690 = arith.addi %mul3A_688, %add3A_689 : i32
        %slice3A_691 = vector.extract_strided_slice %get3A_32 {offsets = [3], sizes = [1], strides = [1]} : vector<16xi32> to vector<1xi32>
        %squeeze3A_692 = vector.extract %slice3A_691[0] : i32 from vector<1xi32>
        %shift_right_arithmetic3A_693 = arith.constant 7 : i32
        %shift_right_arithmetic3A_694 = arith.shrsi %squeeze3A_692, %shift_right_arithmetic3A_693 : i32
        %shift_left3A_695 = arith.constant 7 : i32
        %shift_left3A_696 = arith.shli %shift_right_arithmetic3A_694, %shift_left3A_695 : i32
        %multiple_of3A_697 = tpu.assume_multiple %shift_left3A_696, 128 : i32
        %add3A_698 = arith.constant 0 : i32
        %add3A_699 = arith.addi %add3A_698, %add3A_690 : i32
        %dma_start3A_700 = arith.constant 0 : i32
        %dma_start3A_701 = arith.constant 0 : i32
        %dma_start3A_702 = tpu.memref_slice %arg11[%add3A_699, %dma_start3A_700, %dma_start3A_701] : memref<32x8x128xf32, #tpu.memory_space<vmem>> -> memref<1x8x128xf32, #tpu.memory_space<vmem>>
        %dma_start3A_703 = arith.constant 0 : i32
        %dma_start3A_704 = arith.constant 0 : i32
        %dma_start3A_705 = tpu.memref_slice %arg6[%dma_start3A_703, %dma_start3A_704, %multiple_of3A_697] : memref<4x8x1000000xf32, #tpu.memory_space<hbm>> -> memref<1x8x128xf32, #tpu.memory_space<hbm>>
        %dma_start3A_706 = tpu.memref_slice %arg15[%rem3A_29] : memref<2x!tpu.dma_semaphore, #tpu.memory_space<semaphore_mem>> -> memref<1x!tpu.dma_semaphore, #tpu.memory_space<semaphore_mem>>
        %dma_start3A_707 = tpu.memref_squeeze %dma_start3A_706 : memref<1x!tpu.dma_semaphore, #tpu.memory_space<semaphore_mem>> -> memref<!tpu.dma_semaphore, #tpu.memory_space<semaphore_mem>>
        %dma_start3A_708 = arith.constant 0 : i32
        %dma_start3A_709 = arith.constant 0 : i32
        %dma_start3A_710 = tpu.memref_slice %arg11[%add3A_699, %dma_start3A_708, %dma_start3A_709] : memref<32x8x128xf32, #tpu.memory_space<vmem>> -> memref<1x8x128xf32, #tpu.memory_space<vmem>>
        %dma_start3A_711 = arith.constant 0 : i32
        %dma_start3A_712 = arith.constant 0 : i32
        %dma_start3A_713 = tpu.memref_slice %arg6[%dma_start3A_711, %dma_start3A_712, %multiple_of3A_697] : memref<4x8x1000000xf32, #tpu.memory_space<hbm>> -> memref<1x8x128xf32, #tpu.memory_space<hbm>>
        tpu.enqueue_dma source(%dma_start3A_713 : memref<1x8x128xf32, #tpu.memory_space<hbm>>) target(%dma_start3A_710 : memref<1x8x128xf32, #tpu.memory_space<vmem>>) target_semaphore(%dma_start3A_707 : memref<!tpu.dma_semaphore, #tpu.memory_space<semaphore_mem>>)
        %add3A_714 = arith.constant 8 : i32
        %add3A_715 = arith.addi %add3A_714, %add3A_690 : i32
        %dma_start3A_716 = arith.constant 0 : i32
        %dma_start3A_717 = arith.constant 0 : i32
        %dma_start3A_718 = tpu.memref_slice %arg11[%add3A_715, %dma_start3A_716, %dma_start3A_717] : memref<32x8x128xf32, #tpu.memory_space<vmem>> -> memref<1x8x128xf32, #tpu.memory_space<vmem>>
        %dma_start3A_719 = arith.constant 1 : i32
        %dma_start3A_720 = arith.constant 0 : i32
        %dma_start3A_721 = tpu.memref_slice %arg6[%dma_start3A_719, %dma_start3A_720, %multiple_of3A_697] : memref<4x8x1000000xf32, #tpu.memory_space<hbm>> -> memref<1x8x128xf32, #tpu.memory_space<hbm>>
        %dma_start3A_722 = tpu.memref_slice %arg15[%rem3A_29] : memref<2x!tpu.dma_semaphore, #tpu.memory_space<semaphore_mem>> -> memref<1x!tpu.dma_semaphore, #tpu.memory_space<semaphore_mem>>
        %dma_start3A_723 = tpu.memref_squeeze %dma_start3A_722 : memref<1x!tpu.dma_semaphore, #tpu.memory_space<semaphore_mem>> -> memref<!tpu.dma_semaphore, #tpu.memory_space<semaphore_mem>>
        %dma_start3A_724 = arith.constant 0 : i32
        %dma_start3A_725 = arith.constant 0 : i32
        %dma_start3A_726 = tpu.memref_slice %arg11[%add3A_715, %dma_start3A_724, %dma_start3A_725] : memref<32x8x128xf32, #tpu.memory_space<vmem>> -> memref<1x8x128xf32, #tpu.memory_space<vmem>>
        %dma_start3A_727 = arith.constant 1 : i32
        %dma_start3A_728 = arith.constant 0 : i32
        %dma_start3A_729 = tpu.memref_slice %arg6[%dma_start3A_727, %dma_start3A_728, %multiple_of3A_697] : memref<4x8x1000000xf32, #tpu.memory_space<hbm>> -> memref<1x8x128xf32, #tpu.memory_space<hbm>>
        tpu.enqueue_dma source(%dma_start3A_729 : memref<1x8x128xf32, #tpu.memory_space<hbm>>) target(%dma_start3A_726 : memref<1x8x128xf32, #tpu.memory_space<vmem>>) target_semaphore(%dma_start3A_723 : memref<!tpu.dma_semaphore, #tpu.memory_space<semaphore_mem>>)
        %add3A_730 = arith.constant 16 : i32
        %add3A_731 = arith.addi %add3A_730, %add3A_690 : i32
        %dma_start3A_732 = arith.constant 0 : i32
        %dma_start3A_733 = arith.constant 0 : i32
        %dma_start3A_734 = tpu.memref_slice %arg11[%add3A_731, %dma_start3A_732, %dma_start3A_733] : memref<32x8x128xf32, #tpu.memory_space<vmem>> -> memref<1x8x128xf32, #tpu.memory_space<vmem>>
        %dma_start3A_735 = arith.constant 2 : i32
        %dma_start3A_736 = arith.constant 0 : i32
        %dma_start3A_737 = tpu.memref_slice %arg6[%dma_start3A_735, %dma_start3A_736, %multiple_of3A_697] : memref<4x8x1000000xf32, #tpu.memory_space<hbm>> -> memref<1x8x128xf32, #tpu.memory_space<hbm>>
        %dma_start3A_738 = tpu.memref_slice %arg15[%rem3A_29] : memref<2x!tpu.dma_semaphore, #tpu.memory_space<semaphore_mem>> -> memref<1x!tpu.dma_semaphore, #tpu.memory_space<semaphore_mem>>
        %dma_start3A_739 = tpu.memref_squeeze %dma_start3A_738 : memref<1x!tpu.dma_semaphore, #tpu.memory_space<semaphore_mem>> -> memref<!tpu.dma_semaphore, #tpu.memory_space<semaphore_mem>>
        %dma_start3A_740 = arith.constant 0 : i32
        %dma_start3A_741 = arith.constant 0 : i32
        %dma_start3A_742 = tpu.memref_slice %arg11[%add3A_731, %dma_start3A_740, %dma_start3A_741] : memref<32x8x128xf32, #tpu.memory_space<vmem>> -> memref<1x8x128xf32, #tpu.memory_space<vmem>>
        %dma_start3A_743 = arith.constant 2 : i32
        %dma_start3A_744 = arith.constant 0 : i32
        %dma_start3A_745 = tpu.memref_slice %arg6[%dma_start3A_743, %dma_start3A_744, %multiple_of3A_697] : memref<4x8x1000000xf32, #tpu.memory_space<hbm>> -> memref<1x8x128xf32, #tpu.memory_space<hbm>>
        tpu.enqueue_dma source(%dma_start3A_745 : memref<1x8x128xf32, #tpu.memory_space<hbm>>) target(%dma_start3A_742 : memref<1x8x128xf32, #tpu.memory_space<vmem>>) target_semaphore(%dma_start3A_739 : memref<!tpu.dma_semaphore, #tpu.memory_space<semaphore_mem>>)
        %add3A_746 = arith.constant 24 : i32
        %add3A_747 = arith.addi %add3A_746, %add3A_690 : i32
        %dma_start3A_748 = arith.constant 0 : i32
        %dma_start3A_749 = arith.constant 0 : i32
        %dma_start3A_750 = tpu.memref_slice %arg11[%add3A_747, %dma_start3A_748, %dma_start3A_749] : memref<32x8x128xf32, #tpu.memory_space<vmem>> -> memref<1x8x128xf32, #tpu.memory_space<vmem>>
        %dma_start3A_751 = arith.constant 3 : i32
        %dma_start3A_752 = arith.constant 0 : i32
        %dma_start3A_753 = tpu.memref_slice %arg6[%dma_start3A_751, %dma_start3A_752, %multiple_of3A_697] : memref<4x8x1000000xf32, #tpu.memory_space<hbm>> -> memref<1x8x128xf32, #tpu.memory_space<hbm>>
        %dma_start3A_754 = tpu.memref_slice %arg15[%rem3A_29] : memref<2x!tpu.dma_semaphore, #tpu.memory_space<semaphore_mem>> -> memref<1x!tpu.dma_semaphore, #tpu.memory_space<semaphore_mem>>
        %dma_start3A_755 = tpu.memref_squeeze %dma_start3A_754 : memref<1x!tpu.dma_semaphore, #tpu.memory_space<semaphore_mem>> -> memref<!tpu.dma_semaphore, #tpu.memory_space<semaphore_mem>>
        %dma_start3A_756 = arith.constant 0 : i32
        %dma_start3A_757 = arith.constant 0 : i32
        %dma_start3A_758 = tpu.memref_slice %arg11[%add3A_747, %dma_start3A_756, %dma_start3A_757] : memref<32x8x128xf32, #tpu.memory_space<vmem>> -> memref<1x8x128xf32, #tpu.memory_space<vmem>>
        %dma_start3A_759 = arith.constant 3 : i32
        %dma_start3A_760 = arith.constant 0 : i32
        %dma_start3A_761 = tpu.memref_slice %arg6[%dma_start3A_759, %dma_start3A_760, %multiple_of3A_697] : memref<4x8x1000000xf32, #tpu.memory_space<hbm>> -> memref<1x8x128xf32, #tpu.memory_space<hbm>>
        tpu.enqueue_dma source(%dma_start3A_761 : memref<1x8x128xf32, #tpu.memory_space<hbm>>) target(%dma_start3A_758 : memref<1x8x128xf32, #tpu.memory_space<vmem>>) target_semaphore(%dma_start3A_755 : memref<!tpu.dma_semaphore, #tpu.memory_space<semaphore_mem>>)
        %slice3A_762 = vector.extract_strided_slice %get3A_36 {offsets = [3], sizes = [1], strides = [1]} : vector<16xi32> to vector<1xi32>
        %squeeze3A_763 = vector.extract %slice3A_762[0] : i32 from vector<1xi32>
        %shift_right_arithmetic3A_764 = arith.constant 7 : i32
        %shift_right_arithmetic3A_765 = arith.shrsi %squeeze3A_763, %shift_right_arithmetic3A_764 : i32
        %shift_left3A_766 = arith.constant 7 : i32
        %shift_left3A_767 = arith.shli %shift_right_arithmetic3A_765, %shift_left3A_766 : i32
        %multiple_of3A_768 = tpu.assume_multiple %shift_left3A_767, 128 : i32
        %add3A_769 = arith.constant 0 : i32
        %add3A_770 = arith.addi %add3A_769, %add3A_690 : i32
        %dma_start3A_771 = arith.constant 0 : i32
        %dma_start3A_772 = arith.constant 0 : i32
        %dma_start3A_773 = tpu.memref_slice %arg12[%add3A_770, %dma_start3A_771, %dma_start3A_772] : memref<32x8x128xf32, #tpu.memory_space<vmem>> -> memref<1x8x128xf32, #tpu.memory_space<vmem>>
        %dma_start3A_774 = arith.constant 0 : i32
        %dma_start3A_775 = arith.constant 0 : i32
        %dma_start3A_776 = tpu.memref_slice %arg5[%dma_start3A_774, %dma_start3A_775, %multiple_of3A_768] : memref<4x8x1000000xf32, #tpu.memory_space<hbm>> -> memref<1x8x128xf32, #tpu.memory_space<hbm>>
        %dma_start3A_777 = tpu.memref_slice %arg15[%rem3A_29] : memref<2x!tpu.dma_semaphore, #tpu.memory_space<semaphore_mem>> -> memref<1x!tpu.dma_semaphore, #tpu.memory_space<semaphore_mem>>
        %dma_start3A_778 = tpu.memref_squeeze %dma_start3A_777 : memref<1x!tpu.dma_semaphore, #tpu.memory_space<semaphore_mem>> -> memref<!tpu.dma_semaphore, #tpu.memory_space<semaphore_mem>>
        %dma_start3A_779 = arith.constant 0 : i32
        %dma_start3A_780 = arith.constant 0 : i32
        %dma_start3A_781 = tpu.memref_slice %arg12[%add3A_770, %dma_start3A_779, %dma_start3A_780] : memref<32x8x128xf32, #tpu.memory_space<vmem>> -> memref<1x8x128xf32, #tpu.memory_space<vmem>>
        %dma_start3A_782 = arith.constant 0 : i32
        %dma_start3A_783 = arith.constant 0 : i32
        %dma_start3A_784 = tpu.memref_slice %arg5[%dma_start3A_782, %dma_start3A_783, %multiple_of3A_768] : memref<4x8x1000000xf32, #tpu.memory_space<hbm>> -> memref<1x8x128xf32, #tpu.memory_space<hbm>>
        tpu.enqueue_dma source(%dma_start3A_784 : memref<1x8x128xf32, #tpu.memory_space<hbm>>) target(%dma_start3A_781 : memref<1x8x128xf32, #tpu.memory_space<vmem>>) target_semaphore(%dma_start3A_778 : memref<!tpu.dma_semaphore, #tpu.memory_space<semaphore_mem>>)
        %add3A_785 = arith.constant 8 : i32
        %add3A_786 = arith.addi %add3A_785, %add3A_690 : i32
        %dma_start3A_787 = arith.constant 0 : i32
        %dma_start3A_788 = arith.constant 0 : i32
        %dma_start3A_789 = tpu.memref_slice %arg12[%add3A_786, %dma_start3A_787, %dma_start3A_788] : memref<32x8x128xf32, #tpu.memory_space<vmem>> -> memref<1x8x128xf32, #tpu.memory_space<vmem>>
        %dma_start3A_790 = arith.constant 1 : i32
        %dma_start3A_791 = arith.constant 0 : i32
        %dma_start3A_792 = tpu.memref_slice %arg5[%dma_start3A_790, %dma_start3A_791, %multiple_of3A_768] : memref<4x8x1000000xf32, #tpu.memory_space<hbm>> -> memref<1x8x128xf32, #tpu.memory_space<hbm>>
        %dma_start3A_793 = tpu.memref_slice %arg15[%rem3A_29] : memref<2x!tpu.dma_semaphore, #tpu.memory_space<semaphore_mem>> -> memref<1x!tpu.dma_semaphore, #tpu.memory_space<semaphore_mem>>
        %dma_start3A_794 = tpu.memref_squeeze %dma_start3A_793 : memref<1x!tpu.dma_semaphore, #tpu.memory_space<semaphore_mem>> -> memref<!tpu.dma_semaphore, #tpu.memory_space<semaphore_mem>>
        %dma_start3A_795 = arith.constant 0 : i32
        %dma_start3A_796 = arith.constant 0 : i32
        %dma_start3A_797 = tpu.memref_slice %arg12[%add3A_786, %dma_start3A_795, %dma_start3A_796] : memref<32x8x128xf32, #tpu.memory_space<vmem>> -> memref<1x8x128xf32, #tpu.memory_space<vmem>>
        %dma_start3A_798 = arith.constant 1 : i32
        %dma_start3A_799 = arith.constant 0 : i32
        %dma_start3A_800 = tpu.memref_slice %arg5[%dma_start3A_798, %dma_start3A_799, %multiple_of3A_768] : memref<4x8x1000000xf32, #tpu.memory_space<hbm>> -> memref<1x8x128xf32, #tpu.memory_space<hbm>>
        tpu.enqueue_dma source(%dma_start3A_800 : memref<1x8x128xf32, #tpu.memory_space<hbm>>) target(%dma_start3A_797 : memref<1x8x128xf32, #tpu.memory_space<vmem>>) target_semaphore(%dma_start3A_794 : memref<!tpu.dma_semaphore, #tpu.memory_space<semaphore_mem>>)
        %add3A_801 = arith.constant 16 : i32
        %add3A_802 = arith.addi %add3A_801, %add3A_690 : i32
        %dma_start3A_803 = arith.constant 0 : i32
        %dma_start3A_804 = arith.constant 0 : i32
        %dma_start3A_805 = tpu.memref_slice %arg12[%add3A_802, %dma_start3A_803, %dma_start3A_804] : memref<32x8x128xf32, #tpu.memory_space<vmem>> -> memref<1x8x128xf32, #tpu.memory_space<vmem>>
        %dma_start3A_806 = arith.constant 2 : i32
        %dma_start3A_807 = arith.constant 0 : i32
        %dma_start3A_808 = tpu.memref_slice %arg5[%dma_start3A_806, %dma_start3A_807, %multiple_of3A_768] : memref<4x8x1000000xf32, #tpu.memory_space<hbm>> -> memref<1x8x128xf32, #tpu.memory_space<hbm>>
        %dma_start3A_809 = tpu.memref_slice %arg15[%rem3A_29] : memref<2x!tpu.dma_semaphore, #tpu.memory_space<semaphore_mem>> -> memref<1x!tpu.dma_semaphore, #tpu.memory_space<semaphore_mem>>
        %dma_start3A_810 = tpu.memref_squeeze %dma_start3A_809 : memref<1x!tpu.dma_semaphore, #tpu.memory_space<semaphore_mem>> -> memref<!tpu.dma_semaphore, #tpu.memory_space<semaphore_mem>>
        %dma_start3A_811 = arith.constant 0 : i32
        %dma_start3A_812 = arith.constant 0 : i32
        %dma_start3A_813 = tpu.memref_slice %arg12[%add3A_802, %dma_start3A_811, %dma_start3A_812] : memref<32x8x128xf32, #tpu.memory_space<vmem>> -> memref<1x8x128xf32, #tpu.memory_space<vmem>>
        %dma_start3A_814 = arith.constant 2 : i32
        %dma_start3A_815 = arith.constant 0 : i32
        %dma_start3A_816 = tpu.memref_slice %arg5[%dma_start3A_814, %dma_start3A_815, %multiple_of3A_768] : memref<4x8x1000000xf32, #tpu.memory_space<hbm>> -> memref<1x8x128xf32, #tpu.memory_space<hbm>>
        tpu.enqueue_dma source(%dma_start3A_816 : memref<1x8x128xf32, #tpu.memory_space<hbm>>) target(%dma_start3A_813 : memref<1x8x128xf32, #tpu.memory_space<vmem>>) target_semaphore(%dma_start3A_810 : memref<!tpu.dma_semaphore, #tpu.memory_space<semaphore_mem>>)
        %add3A_817 = arith.constant 24 : i32
        %add3A_818 = arith.addi %add3A_817, %add3A_690 : i32
        %dma_start3A_819 = arith.constant 0 : i32
        %dma_start3A_820 = arith.constant 0 : i32
        %dma_start3A_821 = tpu.memref_slice %arg12[%add3A_818, %dma_start3A_819, %dma_start3A_820] : memref<32x8x128xf32, #tpu.memory_space<vmem>> -> memref<1x8x128xf32, #tpu.memory_space<vmem>>
        %dma_start3A_822 = arith.constant 3 : i32
        %dma_start3A_823 = arith.constant 0 : i32
        %dma_start3A_824 = tpu.memref_slice %arg5[%dma_start3A_822, %dma_start3A_823, %multiple_of3A_768] : memref<4x8x1000000xf32, #tpu.memory_space<hbm>> -> memref<1x8x128xf32, #tpu.memory_space<hbm>>
        %dma_start3A_825 = tpu.memref_slice %arg15[%rem3A_29] : memref<2x!tpu.dma_semaphore, #tpu.memory_space<semaphore_mem>> -> memref<1x!tpu.dma_semaphore, #tpu.memory_space<semaphore_mem>>
        %dma_start3A_826 = tpu.memref_squeeze %dma_start3A_825 : memref<1x!tpu.dma_semaphore, #tpu.memory_space<semaphore_mem>> -> memref<!tpu.dma_semaphore, #tpu.memory_space<semaphore_mem>>
        %dma_start3A_827 = arith.constant 0 : i32
        %dma_start3A_828 = arith.constant 0 : i32
        %dma_start3A_829 = tpu.memref_slice %arg12[%add3A_818, %dma_start3A_827, %dma_start3A_828] : memref<32x8x128xf32, #tpu.memory_space<vmem>> -> memref<1x8x128xf32, #tpu.memory_space<vmem>>
        %dma_start3A_830 = arith.constant 3 : i32
        %dma_start3A_831 = arith.constant 0 : i32
        %dma_start3A_832 = tpu.memref_slice %arg5[%dma_start3A_830, %dma_start3A_831, %multiple_of3A_768] : memref<4x8x1000000xf32, #tpu.memory_space<hbm>> -> memref<1x8x128xf32, #tpu.memory_space<hbm>>
        tpu.enqueue_dma source(%dma_start3A_832 : memref<1x8x128xf32, #tpu.memory_space<hbm>>) target(%dma_start3A_829 : memref<1x8x128xf32, #tpu.memory_space<vmem>>) target_semaphore(%dma_start3A_826 : memref<!tpu.dma_semaphore, #tpu.memory_space<semaphore_mem>>)
        %slice3A_833 = vector.extract_strided_slice %get3A_40 {offsets = [3], sizes = [1], strides = [1]} : vector<16xi32> to vector<1xi32>
        %squeeze3A_834 = vector.extract %slice3A_833[0] : i32 from vector<1xi32>
        %shift_right_arithmetic3A_835 = arith.constant 7 : i32
        %shift_right_arithmetic3A_836 = arith.shrsi %squeeze3A_834, %shift_right_arithmetic3A_835 : i32
        %shift_left3A_837 = arith.constant 7 : i32
        %shift_left3A_838 = arith.shli %shift_right_arithmetic3A_836, %shift_left3A_837 : i32
        %multiple_of3A_839 = tpu.assume_multiple %shift_left3A_838, 128 : i32
        %add3A_840 = arith.constant 0 : i32
        %add3A_841 = arith.addi %add3A_840, %add3A_690 : i32
        %dma_start3A_842 = arith.constant 0 : i32
        %dma_start3A_843 = arith.constant 0 : i32
        %dma_start3A_844 = tpu.memref_slice %arg13[%add3A_841, %dma_start3A_842, %dma_start3A_843] : memref<32x8x128xf32, #tpu.memory_space<vmem>> -> memref<1x8x128xf32, #tpu.memory_space<vmem>>
        %dma_start3A_845 = arith.constant 0 : i32
        %dma_start3A_846 = arith.constant 0 : i32
        %dma_start3A_847 = tpu.memref_slice %arg5[%dma_start3A_845, %dma_start3A_846, %multiple_of3A_839] : memref<4x8x1000000xf32, #tpu.memory_space<hbm>> -> memref<1x8x128xf32, #tpu.memory_space<hbm>>
        %dma_start3A_848 = tpu.memref_slice %arg15[%rem3A_29] : memref<2x!tpu.dma_semaphore, #tpu.memory_space<semaphore_mem>> -> memref<1x!tpu.dma_semaphore, #tpu.memory_space<semaphore_mem>>
        %dma_start3A_849 = tpu.memref_squeeze %dma_start3A_848 : memref<1x!tpu.dma_semaphore, #tpu.memory_space<semaphore_mem>> -> memref<!tpu.dma_semaphore, #tpu.memory_space<semaphore_mem>>
        %dma_start3A_850 = arith.constant 0 : i32
        %dma_start3A_851 = arith.constant 0 : i32
        %dma_start3A_852 = tpu.memref_slice %arg13[%add3A_841, %dma_start3A_850, %dma_start3A_851] : memref<32x8x128xf32, #tpu.memory_space<vmem>> -> memref<1x8x128xf32, #tpu.memory_space<vmem>>
        %dma_start3A_853 = arith.constant 0 : i32
        %dma_start3A_854 = arith.constant 0 : i32
        %dma_start3A_855 = tpu.memref_slice %arg5[%dma_start3A_853, %dma_start3A_854, %multiple_of3A_839] : memref<4x8x1000000xf32, #tpu.memory_space<hbm>> -> memref<1x8x128xf32, #tpu.memory_space<hbm>>
        tpu.enqueue_dma source(%dma_start3A_855 : memref<1x8x128xf32, #tpu.memory_space<hbm>>) target(%dma_start3A_852 : memref<1x8x128xf32, #tpu.memory_space<vmem>>) target_semaphore(%dma_start3A_849 : memref<!tpu.dma_semaphore, #tpu.memory_space<semaphore_mem>>)
        %add3A_856 = arith.constant 8 : i32
        %add3A_857 = arith.addi %add3A_856, %add3A_690 : i32
        %dma_start3A_858 = arith.constant 0 : i32
        %dma_start3A_859 = arith.constant 0 : i32
        %dma_start3A_860 = tpu.memref_slice %arg13[%add3A_857, %dma_start3A_858, %dma_start3A_859] : memref<32x8x128xf32, #tpu.memory_space<vmem>> -> memref<1x8x128xf32, #tpu.memory_space<vmem>>
        %dma_start3A_861 = arith.constant 1 : i32
        %dma_start3A_862 = arith.constant 0 : i32
        %dma_start3A_863 = tpu.memref_slice %arg5[%dma_start3A_861, %dma_start3A_862, %multiple_of3A_839] : memref<4x8x1000000xf32, #tpu.memory_space<hbm>> -> memref<1x8x128xf32, #tpu.memory_space<hbm>>
        %dma_start3A_864 = tpu.memref_slice %arg15[%rem3A_29] : memref<2x!tpu.dma_semaphore, #tpu.memory_space<semaphore_mem>> -> memref<1x!tpu.dma_semaphore, #tpu.memory_space<semaphore_mem>>
        %dma_start3A_865 = tpu.memref_squeeze %dma_start3A_864 : memref<1x!tpu.dma_semaphore, #tpu.memory_space<semaphore_mem>> -> memref<!tpu.dma_semaphore, #tpu.memory_space<semaphore_mem>>
        %dma_start3A_866 = arith.constant 0 : i32
        %dma_start3A_867 = arith.constant 0 : i32
        %dma_start3A_868 = tpu.memref_slice %arg13[%add3A_857, %dma_start3A_866, %dma_start3A_867] : memref<32x8x128xf32, #tpu.memory_space<vmem>> -> memref<1x8x128xf32, #tpu.memory_space<vmem>>
        %dma_start3A_869 = arith.constant 1 : i32
        %dma_start3A_870 = arith.constant 0 : i32
        %dma_start3A_871 = tpu.memref_slice %arg5[%dma_start3A_869, %dma_start3A_870, %multiple_of3A_839] : memref<4x8x1000000xf32, #tpu.memory_space<hbm>> -> memref<1x8x128xf32, #tpu.memory_space<hbm>>
        tpu.enqueue_dma source(%dma_start3A_871 : memref<1x8x128xf32, #tpu.memory_space<hbm>>) target(%dma_start3A_868 : memref<1x8x128xf32, #tpu.memory_space<vmem>>) target_semaphore(%dma_start3A_865 : memref<!tpu.dma_semaphore, #tpu.memory_space<semaphore_mem>>)
        %add3A_872 = arith.constant 16 : i32
        %add3A_873 = arith.addi %add3A_872, %add3A_690 : i32
        %dma_start3A_874 = arith.constant 0 : i32
        %dma_start3A_875 = arith.constant 0 : i32
        %dma_start3A_876 = tpu.memref_slice %arg13[%add3A_873, %dma_start3A_874, %dma_start3A_875] : memref<32x8x128xf32, #tpu.memory_space<vmem>> -> memref<1x8x128xf32, #tpu.memory_space<vmem>>
        %dma_start3A_877 = arith.constant 2 : i32
        %dma_start3A_878 = arith.constant 0 : i32
        %dma_start3A_879 = tpu.memref_slice %arg5[%dma_start3A_877, %dma_start3A_878, %multiple_of3A_839] : memref<4x8x1000000xf32, #tpu.memory_space<hbm>> -> memref<1x8x128xf32, #tpu.memory_space<hbm>>
        %dma_start3A_880 = tpu.memref_slice %arg15[%rem3A_29] : memref<2x!tpu.dma_semaphore, #tpu.memory_space<semaphore_mem>> -> memref<1x!tpu.dma_semaphore, #tpu.memory_space<semaphore_mem>>
        %dma_start3A_881 = tpu.memref_squeeze %dma_start3A_880 : memref<1x!tpu.dma_semaphore, #tpu.memory_space<semaphore_mem>> -> memref<!tpu.dma_semaphore, #tpu.memory_space<semaphore_mem>>
        %dma_start3A_882 = arith.constant 0 : i32
        %dma_start3A_883 = arith.constant 0 : i32
        %dma_start3A_884 = tpu.memref_slice %arg13[%add3A_873, %dma_start3A_882, %dma_start3A_883] : memref<32x8x128xf32, #tpu.memory_space<vmem>> -> memref<1x8x128xf32, #tpu.memory_space<vmem>>
        %dma_start3A_885 = arith.constant 2 : i32
        %dma_start3A_886 = arith.constant 0 : i32
        %dma_start3A_887 = tpu.memref_slice %arg5[%dma_start3A_885, %dma_start3A_886, %multiple_of3A_839] : memref<4x8x1000000xf32, #tpu.memory_space<hbm>> -> memref<1x8x128xf32, #tpu.memory_space<hbm>>
        tpu.enqueue_dma source(%dma_start3A_887 : memref<1x8x128xf32, #tpu.memory_space<hbm>>) target(%dma_start3A_884 : memref<1x8x128xf32, #tpu.memory_space<vmem>>) target_semaphore(%dma_start3A_881 : memref<!tpu.dma_semaphore, #tpu.memory_space<semaphore_mem>>)
        %add3A_888 = arith.constant 24 : i32
        %add3A_889 = arith.addi %add3A_888, %add3A_690 : i32
        %dma_start3A_890 = arith.constant 0 : i32
        %dma_start3A_891 = arith.constant 0 : i32
        %dma_start3A_892 = tpu.memref_slice %arg13[%add3A_889, %dma_start3A_890, %dma_start3A_891] : memref<32x8x128xf32, #tpu.memory_space<vmem>> -> memref<1x8x128xf32, #tpu.memory_space<vmem>>
        %dma_start3A_893 = arith.constant 3 : i32
        %dma_start3A_894 = arith.constant 0 : i32
        %dma_start3A_895 = tpu.memref_slice %arg5[%dma_start3A_893, %dma_start3A_894, %multiple_of3A_839] : memref<4x8x1000000xf32, #tpu.memory_space<hbm>> -> memref<1x8x128xf32, #tpu.memory_space<hbm>>
        %dma_start3A_896 = tpu.memref_slice %arg15[%rem3A_29] : memref<2x!tpu.dma_semaphore, #tpu.memory_space<semaphore_mem>> -> memref<1x!tpu.dma_semaphore, #tpu.memory_space<semaphore_mem>>
        %dma_start3A_897 = tpu.memref_squeeze %dma_start3A_896 : memref<1x!tpu.dma_semaphore, #tpu.memory_space<semaphore_mem>> -> memref<!tpu.dma_semaphore, #tpu.memory_space<semaphore_mem>>
        %dma_start3A_898 = arith.constant 0 : i32
        %dma_start3A_899 = arith.constant 0 : i32
        %dma_start3A_900 = tpu.memref_slice %arg13[%add3A_889, %dma_start3A_898, %dma_start3A_899] : memref<32x8x128xf32, #tpu.memory_space<vmem>> -> memref<1x8x128xf32, #tpu.memory_space<vmem>>
        %dma_start3A_901 = arith.constant 3 : i32
        %dma_start3A_902 = arith.constant 0 : i32
        %dma_start3A_903 = tpu.memref_slice %arg5[%dma_start3A_901, %dma_start3A_902, %multiple_of3A_839] : memref<4x8x1000000xf32, #tpu.memory_space<hbm>> -> memref<1x8x128xf32, #tpu.memory_space<hbm>>
        tpu.enqueue_dma source(%dma_start3A_903 : memref<1x8x128xf32, #tpu.memory_space<hbm>>) target(%dma_start3A_900 : memref<1x8x128xf32, #tpu.memory_space<vmem>>) target_semaphore(%dma_start3A_897 : memref<!tpu.dma_semaphore, #tpu.memory_space<semaphore_mem>>)
      } else {
      }
      %gt3A = arith.constant 0 : i32
      %gt3A_25 = arith.cmpi sgt, %scan3A_22, %gt3A : i32
      %convert_element_type3A_26 = arith.extui %gt3A_25 : i1 to i32
      %cond3A_27 = arith.constant 0 : i32
      %cond3A_28 = arith.cmpi ne, %convert_element_type3A_26, %cond3A_27 : i32
      scf.if %cond3A_28 {
        %sub3A = arith.constant 1 : i32
        %sub3A_29 = arith.subi %scan3A_22, %sub3A : i32
        %rem3A = arith.constant 2 : i32
        %rem3A_30 = arith.remsi %sub3A_29, %rem3A : i32
        %scan3A_31 = arith.constant 0 : i32
        %scan3A_32 = arith.constant 0 : i32
        %scan3A_33 = arith.constant 48 : i32
        %scan3A_34 = arith.addi %scan3A_32, %scan3A_33 : i32
        %scan3A_35 = arith.constant 1 : i32
        scf.for %scan3A_451 = %scan3A_32 to %scan3A_34 step %scan3A_35  : i32 {
          %dma_wait3A = arith.constant 0 : i32
          %dma_wait3A_452 = arith.constant 0 : i32
          %dma_wait3A_453 = arith.constant 0 : i32
          %dma_wait3A_454 = tpu.memref_slice %arg11[%dma_wait3A, %dma_wait3A_452, %dma_wait3A_453] : memref<32x8x128xf32, #tpu.memory_space<vmem>> -> memref<1x8x128xf32, #tpu.memory_space<vmem>>
          %dma_wait3A_455 = arith.constant 0 : i32
          %dma_wait3A_456 = arith.constant 0 : i32
          %dma_wait3A_457 = arith.constant 0 : i32
          %dma_wait3A_458 = tpu.memref_slice %arg6[%dma_wait3A_455, %dma_wait3A_456, %dma_wait3A_457] : memref<4x8x1000000xf32, #tpu.memory_space<hbm>> -> memref<1x8x128xf32, #tpu.memory_space<hbm>>
          %dma_wait3A_459 = tpu.memref_slice %arg15[%rem3A_30] : memref<2x!tpu.dma_semaphore, #tpu.memory_space<semaphore_mem>> -> memref<1x!tpu.dma_semaphore, #tpu.memory_space<semaphore_mem>>
          %dma_wait3A_460 = tpu.memref_squeeze %dma_wait3A_459 : memref<1x!tpu.dma_semaphore, #tpu.memory_space<semaphore_mem>> -> memref<!tpu.dma_semaphore, #tpu.memory_space<semaphore_mem>>
          %dma_wait3A_461 = arith.constant 0 : i32
          %dma_wait3A_462 = arith.constant 0 : i32
          %dma_wait3A_463 = arith.constant 0 : i32
          %dma_wait3A_464 = tpu.memref_slice %arg11[%dma_wait3A_461, %dma_wait3A_462, %dma_wait3A_463] : memref<32x8x128xf32, #tpu.memory_space<vmem>> -> memref<1x8x128xf32, #tpu.memory_space<vmem>>
          %dma_wait3A_465 = arith.constant 0 : i32
          %dma_wait3A_466 = arith.constant 0 : i32
          %dma_wait3A_467 = arith.constant 0 : i32
          %dma_wait3A_468 = tpu.memref_slice %arg6[%dma_wait3A_465, %dma_wait3A_466, %dma_wait3A_467] : memref<4x8x1000000xf32, #tpu.memory_space<hbm>> -> memref<1x8x128xf32, #tpu.memory_space<hbm>>
          tpu.wait_dma2 semaphore(%dma_wait3A_460 : memref<!tpu.dma_semaphore, #tpu.memory_space<semaphore_mem>>) src(%dma_wait3A_468 : memref<1x8x128xf32, #tpu.memory_space<hbm>>) dst(%dma_wait3A_464 : memref<1x8x128xf32, #tpu.memory_space<vmem>>)
        }
        %scan3A_36 = arith.constant 48 : i32
        %sub3A_37 = arith.constant 1 : i32
        %sub3A_38 = arith.subi %scan3A_22, %sub3A_37 : i32
        %rem3A_39 = arith.constant 2 : i32
        %rem3A_40 = arith.remsi %sub3A_38, %rem3A_39 : i32
        %mul3A_41 = arith.constant 4 : i32
        %mul3A_42 = arith.muli %sub3A_38, %mul3A_41 : i32
        %get3A = arith.index_cast %mul3A_42 : i32 to index
        %get3A_43 = tpu.vector_load %arg8[%get3A] {strides = array<i32>} : memref<528xi32, #tpu.memory_space<vmem>>, vector<16xi32>,
        %mul3A_44 = arith.constant 4 : i32
        %mul3A_45 = arith.muli %sub3A_38, %mul3A_44 : i32
        %get3A_46 = arith.index_cast %mul3A_45 : i32 to index
        %get3A_47 = tpu.vector_load %arg9[%get3A_46] {strides = array<i32>} : memref<528xi32, #tpu.memory_space<vmem>>, vector<16xi32>,
        %mul3A_48 = arith.constant 4 : i32
        %mul3A_49 = arith.muli %sub3A_38, %mul3A_48 : i32
        %get3A_50 = arith.index_cast %mul3A_49 : i32 to index
        %get3A_51 = tpu.vector_load %arg10[%get3A_50] {strides = array<i32>} : memref<528xi32, #tpu.memory_space<vmem>>, vector<16xi32>,
        %mul3A_52 = arith.constant 4 : i32
        %mul3A_53 = arith.muli %sub3A_38, %mul3A_52 : i32
        %jit3A = arith.constant 16 : i32
        %div3A = arith.divsi %mul3A_53, %jit3A : i32
        %sign3A = arith.constant 0 : i32
        %sign3A_54 = arith.cmpi sgt, %mul3A_53, %sign3A : i32
        %sign3A_55 = arith.extui %sign3A_54 : i1 to i32
        %sign3A_56 = arith.constant 0 : i32
        %sign3A_57 = arith.cmpi slt, %mul3A_53, %sign3A_56 : i32
        %sign3A_58 = arith.extui %sign3A_57 : i1 to i32
        %sign3A_59 = arith.subi %sign3A_55, %sign3A_58 : i32
        %sign3A_60 = arith.constant 0 : i32
        %sign3A_61 = arith.cmpi sgt, %jit3A, %sign3A_60 : i32
        %sign3A_62 = arith.extui %sign3A_61 : i1 to i32
        %sign3A_63 = arith.constant 0 : i32
        %sign3A_64 = arith.cmpi slt, %jit3A, %sign3A_63 : i32
        %sign3A_65 = arith.extui %sign3A_64 : i1 to i32
        %sign3A_66 = arith.subi %sign3A_62, %sign3A_65 : i32
        %ne3A = arith.cmpi ne, %sign3A_59, %sign3A_66 : i32
        %rem3A_67 = arith.remsi %mul3A_53, %jit3A : i32
        %ne3A_68 = arith.constant 0 : i32
        %ne3A_69 = arith.cmpi ne, %rem3A_67, %ne3A_68 : i32
        %and3A_70 = arith.andi %ne3A, %ne3A_69 : i1
        %sub3A_71 = arith.constant 1 : i32
        %sub3A_72 = arith.subi %div3A, %sub3A_71 : i32
        %select_n3A = arith.select %and3A_70, %sub3A_72, %div3A : i32
        %broadcast_in_dim3A = arith.constant 0.000000e+00 : f32
        %broadcast_in_dim3A_73 = vector.broadcast %broadcast_in_dim3A : f32 to vector<16xf32>
        %mul3A_74 = arith.constant 4 : i32
        %mul3A_75 = arith.muli %rem3A_40, %mul3A_74 : i32
        %add3A_76 = arith.constant 0 : i32
        %add3A_77 = arith.addi %mul3A_75, %add3A_76 : i32
        %slice3A = vector.extract_strided_slice %get3A_43 {offsets = [0], sizes = [1], strides = [1]} : vector<16xi32> to vector<1xi32>
        %squeeze3A = vector.extract %slice3A[0] : i32 from vector<1xi32>
        %and3A_78 = arith.constant 127 : i32
        %and3A_79 = arith.andi %squeeze3A, %and3A_78 : i32
        %broadcast_in_dim3A_80 = vector.broadcast %and3A_79 : i32 to vector<16xi32>
        %slice3A_81 = vector.extract_strided_slice %get3A_47 {offsets = [0], sizes = [1], strides = [1]} : vector<16xi32> to vector<1xi32>
        %squeeze3A_82 = vector.extract %slice3A_81[0] : i32 from vector<1xi32>
        %and3A_83 = arith.constant 127 : i32
        %and3A_84 = arith.andi %squeeze3A_82, %and3A_83 : i32
        %broadcast_in_dim3A_85 = vector.broadcast %and3A_84 : i32 to vector<16xi32>
        %slice3A_86 = vector.extract_strided_slice %get3A_51 {offsets = [0], sizes = [1], strides = [1]} : vector<16xi32> to vector<1xi32>
        %squeeze3A_87 = vector.extract %slice3A_86[0] : i32 from vector<1xi32>
        %and3A_88 = arith.constant 127 : i32
        %and3A_89 = arith.andi %squeeze3A_87, %and3A_88 : i32
        %broadcast_in_dim3A_90 = vector.broadcast %and3A_89 : i32 to vector<16xi32>
        %add3A_91 = vector.broadcast %add3A_77 : i32 to vector<16xi32>
        %add3A_92 = arith.addi %mul3A_12, %add3A_91 : vector<16xi32>
        %gather3A = tpu.vector_load_idx %arg11[%add3A_92, %and3A_7, %broadcast_in_dim3A_80] : memref<32x8x128xf32, #tpu.memory_space<vmem>>[vector<16xi32>, vector<16xi32>, vector<16xi32>], vector<16xf32>,
        %add3A_93 = vector.broadcast %add3A_77 : i32 to vector<16xi32>
        %add3A_94 = arith.addi %mul3A_12, %add3A_93 : vector<16xi32>
        %gather3A_95 = tpu.vector_load_idx %arg12[%add3A_94, %and3A_7, %broadcast_in_dim3A_85] : memref<32x8x128xf32, #tpu.memory_space<vmem>>[vector<16xi32>, vector<16xi32>, vector<16xi32>], vector<16xf32>,
        %add3A_96 = vector.broadcast %add3A_77 : i32 to vector<16xi32>
        %add3A_97 = arith.addi %mul3A_12, %add3A_96 : vector<16xi32>
        %gather3A_98 = tpu.vector_load_idx %arg13[%add3A_97, %and3A_7, %broadcast_in_dim3A_90] : memref<32x8x128xf32, #tpu.memory_space<vmem>>[vector<16xi32>, vector<16xi32>, vector<16xi32>], vector<16xf32>,
        %sub3A_99 = arith.subf %gather3A_95, %gather3A_98 : vector<16xf32>
        %mul3A_100 = arith.mulf %gather3A, %sub3A_99 : vector<16xf32>
        %reduce_sum3A = arith.constant true
        %reduce_sum3A_101 = vector.broadcast %reduce_sum3A : i1 to vector<16xi1>
        %reduce_sum3A_102 = tpu.scan <sum>, %mul3A_100 masked %reduce_sum3A_101 : vector<16xf32>, vector<16xi1> -> vector<16xf32>
        %reduce_sum3A_103 = vector.extract %reduce_sum3A_102[15] : f32 from vector<16xf32>
        %add3A_104 = arith.constant 0.000000e+00 : f32
        %add3A_105 = arith.addf %add3A_104, %reduce_sum3A_103 : f32
        %slice3A_106 = vector.extract_strided_slice %get3A_43 {offsets = [0], sizes = [1], strides = [1]} : vector<16xi32> to vector<1xi32>
        %squeeze3A_107 = vector.extract %slice3A_106[0] : i32 from vector<1xi32>
        %and3A_108 = arith.constant 127 : i32
        %and3A_109 = arith.andi %squeeze3A_107, %and3A_108 : i32
        %broadcast_in_dim3A_110 = vector.broadcast %and3A_109 : i32 to vector<16xi32>
        %slice3A_111 = vector.extract_strided_slice %get3A_47 {offsets = [0], sizes = [1], strides = [1]} : vector<16xi32> to vector<1xi32>
        %squeeze3A_112 = vector.extract %slice3A_111[0] : i32 from vector<1xi32>
        %and3A_113 = arith.constant 127 : i32
        %and3A_114 = arith.andi %squeeze3A_112, %and3A_113 : i32
        %broadcast_in_dim3A_115 = vector.broadcast %and3A_114 : i32 to vector<16xi32>
        %slice3A_116 = vector.extract_strided_slice %get3A_51 {offsets = [0], sizes = [1], strides = [1]} : vector<16xi32> to vector<1xi32>
        %squeeze3A_117 = vector.extract %slice3A_116[0] : i32 from vector<1xi32>
        %and3A_118 = arith.constant 127 : i32
        %and3A_119 = arith.andi %squeeze3A_117, %and3A_118 : i32
        %broadcast_in_dim3A_120 = vector.broadcast %and3A_119 : i32 to vector<16xi32>
        %add3A_121 = vector.broadcast %add3A_77 : i32 to vector<16xi32>
        %add3A_122 = arith.addi %add3A_15, %add3A_121 : vector<16xi32>
        %gather3A_123 = tpu.vector_load_idx %arg11[%add3A_122, %and3A_7, %broadcast_in_dim3A_110] : memref<32x8x128xf32, #tpu.memory_space<vmem>>[vector<16xi32>, vector<16xi32>, vector<16xi32>], vector<16xf32>,
        %add3A_124 = vector.broadcast %add3A_77 : i32 to vector<16xi32>
        %add3A_125 = arith.addi %add3A_15, %add3A_124 : vector<16xi32>
        %gather3A_126 = tpu.vector_load_idx %arg12[%add3A_125, %and3A_7, %broadcast_in_dim3A_115] : memref<32x8x128xf32, #tpu.memory_space<vmem>>[vector<16xi32>, vector<16xi32>, vector<16xi32>], vector<16xf32>,
        %add3A_127 = vector.broadcast %add3A_77 : i32 to vector<16xi32>
        %add3A_128 = arith.addi %add3A_15, %add3A_127 : vector<16xi32>
        %gather3A_129 = tpu.vector_load_idx %arg13[%add3A_128, %and3A_7, %broadcast_in_dim3A_120] : memref<32x8x128xf32, #tpu.memory_space<vmem>>[vector<16xi32>, vector<16xi32>, vector<16xi32>], vector<16xf32>,
        %sub3A_130 = arith.subf %gather3A_126, %gather3A_129 : vector<16xf32>
        %mul3A_131 = arith.mulf %gather3A_123, %sub3A_130 : vector<16xf32>
        %reduce_sum3A_132 = arith.constant true
        %reduce_sum3A_133 = vector.broadcast %reduce_sum3A_132 : i1 to vector<16xi1>
        %reduce_sum3A_134 = tpu.scan <sum>, %mul3A_131 masked %reduce_sum3A_133 : vector<16xf32>, vector<16xi1> -> vector<16xf32>
        %reduce_sum3A_135 = vector.extract %reduce_sum3A_134[15] : f32 from vector<16xf32>
        %add3A_136 = arith.addf %add3A_105, %reduce_sum3A_135 : f32
        %mul3A_137 = arith.constant 4 : i32
        %mul3A_138 = arith.muli %sub3A_38, %mul3A_137 : i32
        %add3A_139 = arith.constant 0 : i32
        %add3A_140 = arith.addi %mul3A_138, %add3A_139 : i32
        %jit3A_141 = arith.constant 16 : i32
        %eq3A = arith.constant 0 : i32
        %eq3A_142 = arith.cmpi eq, %jit3A_141, %eq3A : i32
        %jit3A_143 = arith.constant 1 : i32
        %select_n3A_144 = arith.select %eq3A_142, %jit3A_143, %jit3A_141 : i32
        %rem3A_145 = arith.remsi %add3A_140, %select_n3A_144 : i32
        %ne3A_146 = arith.constant 0 : i32
        %ne3A_147 = arith.cmpi ne, %rem3A_145, %ne3A_146 : i32
        %lt3A_148 = arith.constant 0 : i32
        %lt3A_149 = arith.cmpi slt, %rem3A_145, %lt3A_148 : i32
        %lt3A_150 = arith.constant 0 : i32
        %lt3A_151 = arith.cmpi slt, %select_n3A_144, %lt3A_150 : i32
        %ne3A_152 = arith.xori %lt3A_149, %lt3A_151 : i1
        %and3A_153 = arith.andi %ne3A_152, %ne3A_147 : i1
        %add3A_154 = arith.addi %rem3A_145, %select_n3A_144 : i32
        %select_n3A_155 = arith.select %and3A_153, %add3A_154, %rem3A_145 : i32
        %eq3A_156 = vector.broadcast %select_n3A_155 : i32 to vector<16xi32>
        %eq3A_157 = arith.cmpi eq, %iota3A, %eq3A_156 : vector<16xi32>
        %jit3A_158 = arith.constant 0.000000e+00 : f32
        %broadcast_in_dim3A_159 = vector.broadcast %add3A_136 : f32 to vector<16xf32>
        %broadcast_in_dim3A_160 = vector.broadcast %jit3A_158 : f32 to vector<16xf32>
        %select_n3A_161 = arith.select %eq3A_157, %broadcast_in_dim3A_159, %broadcast_in_dim3A_160 : vector<16xi1>, vector<16xf32>
        %add3A_162 = arith.addf %broadcast_in_dim3A_73, %select_n3A_161 : vector<16xf32>
        %mul3A_163 = arith.constant 4 : i32
        %mul3A_164 = arith.muli %rem3A_40, %mul3A_163 : i32
        %add3A_165 = arith.constant 1 : i32
        %add3A_166 = arith.addi %mul3A_164, %add3A_165 : i32
        %slice3A_167 = vector.extract_strided_slice %get3A_43 {offsets = [1], sizes = [1], strides = [1]} : vector<16xi32> to vector<1xi32>
        %squeeze3A_168 = vector.extract %slice3A_167[0] : i32 from vector<1xi32>
        %and3A_169 = arith.constant 127 : i32
        %and3A_170 = arith.andi %squeeze3A_168, %and3A_169 : i32
        %broadcast_in_dim3A_171 = vector.broadcast %and3A_170 : i32 to vector<16xi32>
        %slice3A_172 = vector.extract_strided_slice %get3A_47 {offsets = [1], sizes = [1], strides = [1]} : vector<16xi32> to vector<1xi32>
        %squeeze3A_173 = vector.extract %slice3A_172[0] : i32 from vector<1xi32>
        %and3A_174 = arith.constant 127 : i32
        %and3A_175 = arith.andi %squeeze3A_173, %and3A_174 : i32
        %broadcast_in_dim3A_176 = vector.broadcast %and3A_175 : i32 to vector<16xi32>
        %slice3A_177 = vector.extract_strided_slice %get3A_51 {offsets = [1], sizes = [1], strides = [1]} : vector<16xi32> to vector<1xi32>
        %squeeze3A_178 = vector.extract %slice3A_177[0] : i32 from vector<1xi32>
        %and3A_179 = arith.constant 127 : i32
        %and3A_180 = arith.andi %squeeze3A_178, %and3A_179 : i32
        %broadcast_in_dim3A_181 = vector.broadcast %and3A_180 : i32 to vector<16xi32>
        %add3A_182 = vector.broadcast %add3A_166 : i32 to vector<16xi32>
        %add3A_183 = arith.addi %mul3A_12, %add3A_182 : vector<16xi32>
        %gather3A_184 = tpu.vector_load_idx %arg11[%add3A_183, %and3A_7, %broadcast_in_dim3A_171] : memref<32x8x128xf32, #tpu.memory_space<vmem>>[vector<16xi32>, vector<16xi32>, vector<16xi32>], vector<16xf32>,
        %add3A_185 = vector.broadcast %add3A_166 : i32 to vector<16xi32>
        %add3A_186 = arith.addi %mul3A_12, %add3A_185 : vector<16xi32>
        %gather3A_187 = tpu.vector_load_idx %arg12[%add3A_186, %and3A_7, %broadcast_in_dim3A_176] : memref<32x8x128xf32, #tpu.memory_space<vmem>>[vector<16xi32>, vector<16xi32>, vector<16xi32>], vector<16xf32>,
        %add3A_188 = vector.broadcast %add3A_166 : i32 to vector<16xi32>
        %add3A_189 = arith.addi %mul3A_12, %add3A_188 : vector<16xi32>
        %gather3A_190 = tpu.vector_load_idx %arg13[%add3A_189, %and3A_7, %broadcast_in_dim3A_181] : memref<32x8x128xf32, #tpu.memory_space<vmem>>[vector<16xi32>, vector<16xi32>, vector<16xi32>], vector<16xf32>,
        %sub3A_191 = arith.subf %gather3A_187, %gather3A_190 : vector<16xf32>
        %mul3A_192 = arith.mulf %gather3A_184, %sub3A_191 : vector<16xf32>
        %reduce_sum3A_193 = arith.constant true
        %reduce_sum3A_194 = vector.broadcast %reduce_sum3A_193 : i1 to vector<16xi1>
        %reduce_sum3A_195 = tpu.scan <sum>, %mul3A_192 masked %reduce_sum3A_194 : vector<16xf32>, vector<16xi1> -> vector<16xf32>
        %reduce_sum3A_196 = vector.extract %reduce_sum3A_195[15] : f32 from vector<16xf32>
        %add3A_197 = arith.constant 0.000000e+00 : f32
        %add3A_198 = arith.addf %add3A_197, %reduce_sum3A_196 : f32
        %slice3A_199 = vector.extract_strided_slice %get3A_43 {offsets = [1], sizes = [1], strides = [1]} : vector<16xi32> to vector<1xi32>
        %squeeze3A_200 = vector.extract %slice3A_199[0] : i32 from vector<1xi32>
        %and3A_201 = arith.constant 127 : i32
        %and3A_202 = arith.andi %squeeze3A_200, %and3A_201 : i32
        %broadcast_in_dim3A_203 = vector.broadcast %and3A_202 : i32 to vector<16xi32>
        %slice3A_204 = vector.extract_strided_slice %get3A_47 {offsets = [1], sizes = [1], strides = [1]} : vector<16xi32> to vector<1xi32>
        %squeeze3A_205 = vector.extract %slice3A_204[0] : i32 from vector<1xi32>
        %and3A_206 = arith.constant 127 : i32
        %and3A_207 = arith.andi %squeeze3A_205, %and3A_206 : i32
        %broadcast_in_dim3A_208 = vector.broadcast %and3A_207 : i32 to vector<16xi32>
        %slice3A_209 = vector.extract_strided_slice %get3A_51 {offsets = [1], sizes = [1], strides = [1]} : vector<16xi32> to vector<1xi32>
        %squeeze3A_210 = vector.extract %slice3A_209[0] : i32 from vector<1xi32>
        %and3A_211 = arith.constant 127 : i32
        %and3A_212 = arith.andi %squeeze3A_210, %and3A_211 : i32
        %broadcast_in_dim3A_213 = vector.broadcast %and3A_212 : i32 to vector<16xi32>
        %add3A_214 = vector.broadcast %add3A_166 : i32 to vector<16xi32>
        %add3A_215 = arith.addi %add3A_15, %add3A_214 : vector<16xi32>
        %gather3A_216 = tpu.vector_load_idx %arg11[%add3A_215, %and3A_7, %broadcast_in_dim3A_203] : memref<32x8x128xf32, #tpu.memory_space<vmem>>[vector<16xi32>, vector<16xi32>, vector<16xi32>], vector<16xf32>,
        %add3A_217 = vector.broadcast %add3A_166 : i32 to vector<16xi32>
        %add3A_218 = arith.addi %add3A_15, %add3A_217 : vector<16xi32>
        %gather3A_219 = tpu.vector_load_idx %arg12[%add3A_218, %and3A_7, %broadcast_in_dim3A_208] : memref<32x8x128xf32, #tpu.memory_space<vmem>>[vector<16xi32>, vector<16xi32>, vector<16xi32>], vector<16xf32>,
        %add3A_220 = vector.broadcast %add3A_166 : i32 to vector<16xi32>
        %add3A_221 = arith.addi %add3A_15, %add3A_220 : vector<16xi32>
        %gather3A_222 = tpu.vector_load_idx %arg13[%add3A_221, %and3A_7, %broadcast_in_dim3A_213] : memref<32x8x128xf32, #tpu.memory_space<vmem>>[vector<16xi32>, vector<16xi32>, vector<16xi32>], vector<16xf32>,
        %sub3A_223 = arith.subf %gather3A_219, %gather3A_222 : vector<16xf32>
        %mul3A_224 = arith.mulf %gather3A_216, %sub3A_223 : vector<16xf32>
        %reduce_sum3A_225 = arith.constant true
        %reduce_sum3A_226 = vector.broadcast %reduce_sum3A_225 : i1 to vector<16xi1>
        %reduce_sum3A_227 = tpu.scan <sum>, %mul3A_224 masked %reduce_sum3A_226 : vector<16xf32>, vector<16xi1> -> vector<16xf32>
        %reduce_sum3A_228 = vector.extract %reduce_sum3A_227[15] : f32 from vector<16xf32>
        %add3A_229 = arith.addf %add3A_198, %reduce_sum3A_228 : f32
        %mul3A_230 = arith.constant 4 : i32
        %mul3A_231 = arith.muli %sub3A_38, %mul3A_230 : i32
        %add3A_232 = arith.constant 1 : i32
        %add3A_233 = arith.addi %mul3A_231, %add3A_232 : i32
        %jit3A_234 = arith.constant 16 : i32
        %eq3A_235 = arith.constant 0 : i32
        %eq3A_236 = arith.cmpi eq, %jit3A_234, %eq3A_235 : i32
        %jit3A_237 = arith.constant 1 : i32
        %select_n3A_238 = arith.select %eq3A_236, %jit3A_237, %jit3A_234 : i32
        %rem3A_239 = arith.remsi %add3A_233, %select_n3A_238 : i32
        %ne3A_240 = arith.constant 0 : i32
        %ne3A_241 = arith.cmpi ne, %rem3A_239, %ne3A_240 : i32
        %lt3A_242 = arith.constant 0 : i32
        %lt3A_243 = arith.cmpi slt, %rem3A_239, %lt3A_242 : i32
        %lt3A_244 = arith.constant 0 : i32
        %lt3A_245 = arith.cmpi slt, %select_n3A_238, %lt3A_244 : i32
        %ne3A_246 = arith.xori %lt3A_243, %lt3A_245 : i1
        %and3A_247 = arith.andi %ne3A_246, %ne3A_241 : i1
        %add3A_248 = arith.addi %rem3A_239, %select_n3A_238 : i32
        %select_n3A_249 = arith.select %and3A_247, %add3A_248, %rem3A_239 : i32
        %eq3A_250 = vector.broadcast %select_n3A_249 : i32 to vector<16xi32>
        %eq3A_251 = arith.cmpi eq, %iota3A, %eq3A_250 : vector<16xi32>
        %jit3A_252 = arith.constant 0.000000e+00 : f32
        %broadcast_in_dim3A_253 = vector.broadcast %add3A_229 : f32 to vector<16xf32>
        %broadcast_in_dim3A_254 = vector.broadcast %jit3A_252 : f32 to vector<16xf32>
        %select_n3A_255 = arith.select %eq3A_251, %broadcast_in_dim3A_253, %broadcast_in_dim3A_254 : vector<16xi1>, vector<16xf32>
        %add3A_256 = arith.addf %add3A_162, %select_n3A_255 : vector<16xf32>
        %mul3A_257 = arith.constant 4 : i32
        %mul3A_258 = arith.muli %rem3A_40, %mul3A_257 : i32
        %add3A_259 = arith.constant 2 : i32
        %add3A_260 = arith.addi %mul3A_258, %add3A_259 : i32
        %slice3A_261 = vector.extract_strided_slice %get3A_43 {offsets = [2], sizes = [1], strides = [1]} : vector<16xi32> to vector<1xi32>
        %squeeze3A_262 = vector.extract %slice3A_261[0] : i32 from vector<1xi32>
        %and3A_263 = arith.constant 127 : i32
        %and3A_264 = arith.andi %squeeze3A_262, %and3A_263 : i32
        %broadcast_in_dim3A_265 = vector.broadcast %and3A_264 : i32 to vector<16xi32>
        %slice3A_266 = vector.extract_strided_slice %get3A_47 {offsets = [2], sizes = [1], strides = [1]} : vector<16xi32> to vector<1xi32>
        %squeeze3A_267 = vector.extract %slice3A_266[0] : i32 from vector<1xi32>
        %and3A_268 = arith.constant 127 : i32
        %and3A_269 = arith.andi %squeeze3A_267, %and3A_268 : i32
        %broadcast_in_dim3A_270 = vector.broadcast %and3A_269 : i32 to vector<16xi32>
        %slice3A_271 = vector.extract_strided_slice %get3A_51 {offsets = [2], sizes = [1], strides = [1]} : vector<16xi32> to vector<1xi32>
        %squeeze3A_272 = vector.extract %slice3A_271[0] : i32 from vector<1xi32>
        %and3A_273 = arith.constant 127 : i32
        %and3A_274 = arith.andi %squeeze3A_272, %and3A_273 : i32
        %broadcast_in_dim3A_275 = vector.broadcast %and3A_274 : i32 to vector<16xi32>
        %add3A_276 = vector.broadcast %add3A_260 : i32 to vector<16xi32>
        %add3A_277 = arith.addi %mul3A_12, %add3A_276 : vector<16xi32>
        %gather3A_278 = tpu.vector_load_idx %arg11[%add3A_277, %and3A_7, %broadcast_in_dim3A_265] : memref<32x8x128xf32, #tpu.memory_space<vmem>>[vector<16xi32>, vector<16xi32>, vector<16xi32>], vector<16xf32>,
        %add3A_279 = vector.broadcast %add3A_260 : i32 to vector<16xi32>
        %add3A_280 = arith.addi %mul3A_12, %add3A_279 : vector<16xi32>
        %gather3A_281 = tpu.vector_load_idx %arg12[%add3A_280, %and3A_7, %broadcast_in_dim3A_270] : memref<32x8x128xf32, #tpu.memory_space<vmem>>[vector<16xi32>, vector<16xi32>, vector<16xi32>], vector<16xf32>,
        %add3A_282 = vector.broadcast %add3A_260 : i32 to vector<16xi32>
        %add3A_283 = arith.addi %mul3A_12, %add3A_282 : vector<16xi32>
        %gather3A_284 = tpu.vector_load_idx %arg13[%add3A_283, %and3A_7, %broadcast_in_dim3A_275] : memref<32x8x128xf32, #tpu.memory_space<vmem>>[vector<16xi32>, vector<16xi32>, vector<16xi32>], vector<16xf32>,
        %sub3A_285 = arith.subf %gather3A_281, %gather3A_284 : vector<16xf32>
        %mul3A_286 = arith.mulf %gather3A_278, %sub3A_285 : vector<16xf32>
        %reduce_sum3A_287 = arith.constant true
        %reduce_sum3A_288 = vector.broadcast %reduce_sum3A_287 : i1 to vector<16xi1>
        %reduce_sum3A_289 = tpu.scan <sum>, %mul3A_286 masked %reduce_sum3A_288 : vector<16xf32>, vector<16xi1> -> vector<16xf32>
        %reduce_sum3A_290 = vector.extract %reduce_sum3A_289[15] : f32 from vector<16xf32>
        %add3A_291 = arith.constant 0.000000e+00 : f32
        %add3A_292 = arith.addf %add3A_291, %reduce_sum3A_290 : f32
        %slice3A_293 = vector.extract_strided_slice %get3A_43 {offsets = [2], sizes = [1], strides = [1]} : vector<16xi32> to vector<1xi32>
        %squeeze3A_294 = vector.extract %slice3A_293[0] : i32 from vector<1xi32>
        %and3A_295 = arith.constant 127 : i32
        %and3A_296 = arith.andi %squeeze3A_294, %and3A_295 : i32
        %broadcast_in_dim3A_297 = vector.broadcast %and3A_296 : i32 to vector<16xi32>
        %slice3A_298 = vector.extract_strided_slice %get3A_47 {offsets = [2], sizes = [1], strides = [1]} : vector<16xi32> to vector<1xi32>
        %squeeze3A_299 = vector.extract %slice3A_298[0] : i32 from vector<1xi32>
        %and3A_300 = arith.constant 127 : i32
        %and3A_301 = arith.andi %squeeze3A_299, %and3A_300 : i32
        %broadcast_in_dim3A_302 = vector.broadcast %and3A_301 : i32 to vector<16xi32>
        %slice3A_303 = vector.extract_strided_slice %get3A_51 {offsets = [2], sizes = [1], strides = [1]} : vector<16xi32> to vector<1xi32>
        %squeeze3A_304 = vector.extract %slice3A_303[0] : i32 from vector<1xi32>
        %and3A_305 = arith.constant 127 : i32
        %and3A_306 = arith.andi %squeeze3A_304, %and3A_305 : i32
        %broadcast_in_dim3A_307 = vector.broadcast %and3A_306 : i32 to vector<16xi32>
        %add3A_308 = vector.broadcast %add3A_260 : i32 to vector<16xi32>
        %add3A_309 = arith.addi %add3A_15, %add3A_308 : vector<16xi32>
        %gather3A_310 = tpu.vector_load_idx %arg11[%add3A_309, %and3A_7, %broadcast_in_dim3A_297] : memref<32x8x128xf32, #tpu.memory_space<vmem>>[vector<16xi32>, vector<16xi32>, vector<16xi32>], vector<16xf32>,
        %add3A_311 = vector.broadcast %add3A_260 : i32 to vector<16xi32>
        %add3A_312 = arith.addi %add3A_15, %add3A_311 : vector<16xi32>
        %gather3A_313 = tpu.vector_load_idx %arg12[%add3A_312, %and3A_7, %broadcast_in_dim3A_302] : memref<32x8x128xf32, #tpu.memory_space<vmem>>[vector<16xi32>, vector<16xi32>, vector<16xi32>], vector<16xf32>,
        %add3A_314 = vector.broadcast %add3A_260 : i32 to vector<16xi32>
        %add3A_315 = arith.addi %add3A_15, %add3A_314 : vector<16xi32>
        %gather3A_316 = tpu.vector_load_idx %arg13[%add3A_315, %and3A_7, %broadcast_in_dim3A_307] : memref<32x8x128xf32, #tpu.memory_space<vmem>>[vector<16xi32>, vector<16xi32>, vector<16xi32>], vector<16xf32>,
        %sub3A_317 = arith.subf %gather3A_313, %gather3A_316 : vector<16xf32>
        %mul3A_318 = arith.mulf %gather3A_310, %sub3A_317 : vector<16xf32>
        %reduce_sum3A_319 = arith.constant true
        %reduce_sum3A_320 = vector.broadcast %reduce_sum3A_319 : i1 to vector<16xi1>
        %reduce_sum3A_321 = tpu.scan <sum>, %mul3A_318 masked %reduce_sum3A_320 : vector<16xf32>, vector<16xi1> -> vector<16xf32>
        %reduce_sum3A_322 = vector.extract %reduce_sum3A_321[15] : f32 from vector<16xf32>
        %add3A_323 = arith.addf %add3A_292, %reduce_sum3A_322 : f32
        %mul3A_324 = arith.constant 4 : i32
        %mul3A_325 = arith.muli %sub3A_38, %mul3A_324 : i32
        %add3A_326 = arith.constant 2 : i32
        %add3A_327 = arith.addi %mul3A_325, %add3A_326 : i32
        %jit3A_328 = arith.constant 16 : i32
        %eq3A_329 = arith.constant 0 : i32
        %eq3A_330 = arith.cmpi eq, %jit3A_328, %eq3A_329 : i32
        %jit3A_331 = arith.constant 1 : i32
        %select_n3A_332 = arith.select %eq3A_330, %jit3A_331, %jit3A_328 : i32
        %rem3A_333 = arith.remsi %add3A_327, %select_n3A_332 : i32
        %ne3A_334 = arith.constant 0 : i32
        %ne3A_335 = arith.cmpi ne, %rem3A_333, %ne3A_334 : i32
        %lt3A_336 = arith.constant 0 : i32
        %lt3A_337 = arith.cmpi slt, %rem3A_333, %lt3A_336 : i32
        %lt3A_338 = arith.constant 0 : i32
        %lt3A_339 = arith.cmpi slt, %select_n3A_332, %lt3A_338 : i32
        %ne3A_340 = arith.xori %lt3A_337, %lt3A_339 : i1
        %and3A_341 = arith.andi %ne3A_340, %ne3A_335 : i1
        %add3A_342 = arith.addi %rem3A_333, %select_n3A_332 : i32
        %select_n3A_343 = arith.select %and3A_341, %add3A_342, %rem3A_333 : i32
        %eq3A_344 = vector.broadcast %select_n3A_343 : i32 to vector<16xi32>
        %eq3A_345 = arith.cmpi eq, %iota3A, %eq3A_344 : vector<16xi32>
        %jit3A_346 = arith.constant 0.000000e+00 : f32
        %broadcast_in_dim3A_347 = vector.broadcast %add3A_323 : f32 to vector<16xf32>
        %broadcast_in_dim3A_348 = vector.broadcast %jit3A_346 : f32 to vector<16xf32>
        %select_n3A_349 = arith.select %eq3A_345, %broadcast_in_dim3A_347, %broadcast_in_dim3A_348 : vector<16xi1>, vector<16xf32>
        %add3A_350 = arith.addf %add3A_256, %select_n3A_349 : vector<16xf32>
        %mul3A_351 = arith.constant 4 : i32
        %mul3A_352 = arith.muli %rem3A_40, %mul3A_351 : i32
        %add3A_353 = arith.constant 3 : i32
        %add3A_354 = arith.addi %mul3A_352, %add3A_353 : i32
        %slice3A_355 = vector.extract_strided_slice %get3A_43 {offsets = [3], sizes = [1], strides = [1]} : vector<16xi32> to vector<1xi32>
        %squeeze3A_356 = vector.extract %slice3A_355[0] : i32 from vector<1xi32>
        %and3A_357 = arith.constant 127 : i32
        %and3A_358 = arith.andi %squeeze3A_356, %and3A_357 : i32
        %broadcast_in_dim3A_359 = vector.broadcast %and3A_358 : i32 to vector<16xi32>
        %slice3A_360 = vector.extract_strided_slice %get3A_47 {offsets = [3], sizes = [1], strides = [1]} : vector<16xi32> to vector<1xi32>
        %squeeze3A_361 = vector.extract %slice3A_360[0] : i32 from vector<1xi32>
        %and3A_362 = arith.constant 127 : i32
        %and3A_363 = arith.andi %squeeze3A_361, %and3A_362 : i32
        %broadcast_in_dim3A_364 = vector.broadcast %and3A_363 : i32 to vector<16xi32>
        %slice3A_365 = vector.extract_strided_slice %get3A_51 {offsets = [3], sizes = [1], strides = [1]} : vector<16xi32> to vector<1xi32>
        %squeeze3A_366 = vector.extract %slice3A_365[0] : i32 from vector<1xi32>
        %and3A_367 = arith.constant 127 : i32
        %and3A_368 = arith.andi %squeeze3A_366, %and3A_367 : i32
        %broadcast_in_dim3A_369 = vector.broadcast %and3A_368 : i32 to vector<16xi32>
        %add3A_370 = vector.broadcast %add3A_354 : i32 to vector<16xi32>
        %add3A_371 = arith.addi %mul3A_12, %add3A_370 : vector<16xi32>
        %gather3A_372 = tpu.vector_load_idx %arg11[%add3A_371, %and3A_7, %broadcast_in_dim3A_359] : memref<32x8x128xf32, #tpu.memory_space<vmem>>[vector<16xi32>, vector<16xi32>, vector<16xi32>], vector<16xf32>,
        %add3A_373 = vector.broadcast %add3A_354 : i32 to vector<16xi32>
        %add3A_374 = arith.addi %mul3A_12, %add3A_373 : vector<16xi32>
        %gather3A_375 = tpu.vector_load_idx %arg12[%add3A_374, %and3A_7, %broadcast_in_dim3A_364] : memref<32x8x128xf32, #tpu.memory_space<vmem>>[vector<16xi32>, vector<16xi32>, vector<16xi32>], vector<16xf32>,
        %add3A_376 = vector.broadcast %add3A_354 : i32 to vector<16xi32>
        %add3A_377 = arith.addi %mul3A_12, %add3A_376 : vector<16xi32>
        %gather3A_378 = tpu.vector_load_idx %arg13[%add3A_377, %and3A_7, %broadcast_in_dim3A_369] : memref<32x8x128xf32, #tpu.memory_space<vmem>>[vector<16xi32>, vector<16xi32>, vector<16xi32>], vector<16xf32>,
        %sub3A_379 = arith.subf %gather3A_375, %gather3A_378 : vector<16xf32>
        %mul3A_380 = arith.mulf %gather3A_372, %sub3A_379 : vector<16xf32>
        %reduce_sum3A_381 = arith.constant true
        %reduce_sum3A_382 = vector.broadcast %reduce_sum3A_381 : i1 to vector<16xi1>
        %reduce_sum3A_383 = tpu.scan <sum>, %mul3A_380 masked %reduce_sum3A_382 : vector<16xf32>, vector<16xi1> -> vector<16xf32>
        %reduce_sum3A_384 = vector.extract %reduce_sum3A_383[15] : f32 from vector<16xf32>
        %add3A_385 = arith.constant 0.000000e+00 : f32
        %add3A_386 = arith.addf %add3A_385, %reduce_sum3A_384 : f32
        %slice3A_387 = vector.extract_strided_slice %get3A_43 {offsets = [3], sizes = [1], strides = [1]} : vector<16xi32> to vector<1xi32>
        %squeeze3A_388 = vector.extract %slice3A_387[0] : i32 from vector<1xi32>
        %and3A_389 = arith.constant 127 : i32
        %and3A_390 = arith.andi %squeeze3A_388, %and3A_389 : i32
        %broadcast_in_dim3A_391 = vector.broadcast %and3A_390 : i32 to vector<16xi32>
        %slice3A_392 = vector.extract_strided_slice %get3A_47 {offsets = [3], sizes = [1], strides = [1]} : vector<16xi32> to vector<1xi32>
        %squeeze3A_393 = vector.extract %slice3A_392[0] : i32 from vector<1xi32>
        %and3A_394 = arith.constant 127 : i32
        %and3A_395 = arith.andi %squeeze3A_393, %and3A_394 : i32
        %broadcast_in_dim3A_396 = vector.broadcast %and3A_395 : i32 to vector<16xi32>
        %slice3A_397 = vector.extract_strided_slice %get3A_51 {offsets = [3], sizes = [1], strides = [1]} : vector<16xi32> to vector<1xi32>
        %squeeze3A_398 = vector.extract %slice3A_397[0] : i32 from vector<1xi32>
        %and3A_399 = arith.constant 127 : i32
        %and3A_400 = arith.andi %squeeze3A_398, %and3A_399 : i32
        %broadcast_in_dim3A_401 = vector.broadcast %and3A_400 : i32 to vector<16xi32>
        %add3A_402 = vector.broadcast %add3A_354 : i32 to vector<16xi32>
        %add3A_403 = arith.addi %add3A_15, %add3A_402 : vector<16xi32>
        %gather3A_404 = tpu.vector_load_idx %arg11[%add3A_403, %and3A_7, %broadcast_in_dim3A_391] : memref<32x8x128xf32, #tpu.memory_space<vmem>>[vector<16xi32>, vector<16xi32>, vector<16xi32>], vector<16xf32>,
        %add3A_405 = vector.broadcast %add3A_354 : i32 to vector<16xi32>
        %add3A_406 = arith.addi %add3A_15, %add3A_405 : vector<16xi32>
        %gather3A_407 = tpu.vector_load_idx %arg12[%add3A_406, %and3A_7, %broadcast_in_dim3A_396] : memref<32x8x128xf32, #tpu.memory_space<vmem>>[vector<16xi32>, vector<16xi32>, vector<16xi32>], vector<16xf32>,
        %add3A_408 = vector.broadcast %add3A_354 : i32 to vector<16xi32>
        %add3A_409 = arith.addi %add3A_15, %add3A_408 : vector<16xi32>
        %gather3A_410 = tpu.vector_load_idx %arg13[%add3A_409, %and3A_7, %broadcast_in_dim3A_401] : memref<32x8x128xf32, #tpu.memory_space<vmem>>[vector<16xi32>, vector<16xi32>, vector<16xi32>], vector<16xf32>,
        %sub3A_411 = arith.subf %gather3A_407, %gather3A_410 : vector<16xf32>
        %mul3A_412 = arith.mulf %gather3A_404, %sub3A_411 : vector<16xf32>
        %reduce_sum3A_413 = arith.constant true
        %reduce_sum3A_414 = vector.broadcast %reduce_sum3A_413 : i1 to vector<16xi1>
        %reduce_sum3A_415 = tpu.scan <sum>, %mul3A_412 masked %reduce_sum3A_414 : vector<16xf32>, vector<16xi1> -> vector<16xf32>
        %reduce_sum3A_416 = vector.extract %reduce_sum3A_415[15] : f32 from vector<16xf32>
        %add3A_417 = arith.addf %add3A_386, %reduce_sum3A_416 : f32
        %mul3A_418 = arith.constant 4 : i32
        %mul3A_419 = arith.muli %sub3A_38, %mul3A_418 : i32
        %add3A_420 = arith.constant 3 : i32
        %add3A_421 = arith.addi %mul3A_419, %add3A_420 : i32
        %jit3A_422 = arith.constant 16 : i32
        %eq3A_423 = arith.constant 0 : i32
        %eq3A_424 = arith.cmpi eq, %jit3A_422, %eq3A_423 : i32
        %jit3A_425 = arith.constant 1 : i32
        %select_n3A_426 = arith.select %eq3A_424, %jit3A_425, %jit3A_422 : i32
        %rem3A_427 = arith.remsi %add3A_421, %select_n3A_426 : i32
        %ne3A_428 = arith.constant 0 : i32
        %ne3A_429 = arith.cmpi ne, %rem3A_427, %ne3A_428 : i32
        %lt3A_430 = arith.constant 0 : i32
        %lt3A_431 = arith.cmpi slt, %rem3A_427, %lt3A_430 : i32
        %lt3A_432 = arith.constant 0 : i32
        %lt3A_433 = arith.cmpi slt, %select_n3A_426, %lt3A_432 : i32
        %ne3A_434 = arith.xori %lt3A_431, %lt3A_433 : i1
        %and3A_435 = arith.andi %ne3A_434, %ne3A_429 : i1
        %add3A_436 = arith.addi %rem3A_427, %select_n3A_426 : i32
        %select_n3A_437 = arith.select %and3A_435, %add3A_436, %rem3A_427 : i32
        %eq3A_438 = vector.broadcast %select_n3A_437 : i32 to vector<16xi32>
        %eq3A_439 = arith.cmpi eq, %iota3A, %eq3A_438 : vector<16xi32>
        %jit3A_440 = arith.constant 0.000000e+00 : f32
        %broadcast_in_dim3A_441 = vector.broadcast %add3A_417 : f32 to vector<16xf32>
        %broadcast_in_dim3A_442 = vector.broadcast %jit3A_440 : f32 to vector<16xf32>
        %select_n3A_443 = arith.select %eq3A_439, %broadcast_in_dim3A_441, %broadcast_in_dim3A_442 : vector<16xi1>, vector<16xf32>
        %add3A_444 = arith.addf %add3A_350, %select_n3A_443 : vector<16xf32>
        %mul3A_445 = arith.constant 16 : i32
        %mul3A_446 = arith.muli %select_n3A, %mul3A_445 : i32
        %get3A_447 = arith.index_cast %mul3A_446 : i32 to index
        %get3A_448 = tpu.vector_load %arg14[%get3A_447] {strides = array<i32>} : memref<512xf32, #tpu.memory_space<vmem>>, vector<16xf32>,
        %add3A_449 = arith.addf %get3A_448, %add3A_444 : vector<16xf32>
        %swap3A = arith.index_cast %mul3A_446 : i32 to index
        %swap3A_450 = tpu.vector_load %arg14[%swap3A] {strides = array<i32>} : memref<512xf32, #tpu.memory_space<vmem>>, vector<16xf32>,
        tpu.vector_store %arg14[%swap3A], %add3A_449 {strides = array<i32>} : memref<512xf32, #tpu.memory_space<vmem>>, vector<16xf32>,
      } else {
      }
    }
    %scan3A_21 = arith.constant 129 : i32
    "tpu.region"() ({
      %run_scoped3A = tpu.sem_alloc : memref<!tpu.dma_semaphore, #tpu.memory_space<semaphore_mem>>
      %dma_start3A = arith.constant 0 : i32
      %dma_start3A_22 = tpu.memref_slice %arg7[%add3A, %dma_start3A] : memref<32x512xf32, #tpu.memory_space<hbm>> -> memref<1x512xf32, #tpu.memory_space<hbm>>
      %dma_start3A_23 = tpu.memref_squeeze %dma_start3A_22 : memref<1x512xf32, #tpu.memory_space<hbm>> -> memref<512xf32, #tpu.memory_space<hbm>>
      %dma_start3A_24 = arith.constant 0 : i32
      %dma_start3A_25 = tpu.memref_slice %arg7[%add3A, %dma_start3A_24] : memref<32x512xf32, #tpu.memory_space<hbm>> -> memref<1x512xf32, #tpu.memory_space<hbm>>
      %dma_start3A_26 = tpu.memref_squeeze %dma_start3A_25 : memref<1x512xf32, #tpu.memory_space<hbm>> -> memref<512xf32, #tpu.memory_space<hbm>>
      tpu.enqueue_dma source(%arg14 : memref<512xf32, #tpu.memory_space<vmem>>) target(%dma_start3A_26 : memref<512xf32, #tpu.memory_space<hbm>>) target_semaphore(%run_scoped3A : memref<!tpu.dma_semaphore, #tpu.memory_space<semaphore_mem>>)
      %dma_wait3A = arith.constant 0 : i32
      %dma_wait3A_27 = tpu.memref_slice %arg7[%add3A, %dma_wait3A] : memref<32x512xf32, #tpu.memory_space<hbm>> -> memref<1x512xf32, #tpu.memory_space<hbm>>
      %dma_wait3A_28 = tpu.memref_squeeze %dma_wait3A_27 : memref<1x512xf32, #tpu.memory_space<hbm>> -> memref<512xf32, #tpu.memory_space<hbm>>
      %dma_wait3A_29 = arith.constant 0 : i32
      %dma_wait3A_30 = tpu.memref_slice %arg7[%add3A, %dma_wait3A_29] : memref<32x512xf32, #tpu.memory_space<hbm>> -> memref<1x512xf32, #tpu.memory_space<hbm>>
      %dma_wait3A_31 = tpu.memref_squeeze %dma_wait3A_30 : memref<1x512xf32, #tpu.memory_space<hbm>> -> memref<512xf32, #tpu.memory_space<hbm>>
      tpu.wait_dma2 semaphore(%run_scoped3A : memref<!tpu.dma_semaphore, #tpu.memory_space<semaphore_mem>>) src(%arg14 : memref<512xf32, #tpu.memory_space<vmem>>) dst(%dma_wait3A_31 : memref<512xf32, #tpu.memory_space<hbm>>)
      tpu.yield
    }) : () -> ()
    return
  }
}

module attributes {stable_mosaic.version = 14 : i64} {
  func.func @_loss_tc_body(%arg0: memref<128x128xf32, #tpu.memory_space<vmem>>, %arg1: memref<1x1xf32, #tpu.memory_space<smem>>) attributes {dimension_semantics = [], scalar_prefetch = 0 : i64, scratch_operands = 0 : i64, tpu.core_type = #tpu.core_type<tc>} {
    %get3A = arith.constant 0 : index
    %get3A_0 = arith.constant 0 : index
    %get3A_1 = vector.load %arg0[%get3A, %get3A_0] : memref<128x128xf32, #tpu.memory_space<vmem>>, vector<128x128xf32>
    %min3A = arith.constant 0.000000e+00 : f32
    %min3A_2 = vector.broadcast %min3A : f32 to vector<128x128xf32>
    %min3A_3 = arith.minimumf %get3A_1, %min3A_2 : vector<128x128xf32>
    %abs3A = math.absf %get3A_1 : vector<128x128xf32>
    %neg3A = arith.constant 0.000000e+00 : f32
    %neg3A_4 = vector.broadcast %neg3A : f32 to vector<128x128xf32>
    %neg3A_5 = arith.subf %neg3A_4, %abs3A : vector<128x128xf32>
    %exp3A = math.exp %neg3A_5 : vector<128x128xf32>
    %log1p3A = math.log1p %exp3A : vector<128x128xf32>
    %sub3A = arith.subf %min3A_3, %log1p3A : vector<128x128xf32>
    %reduce_sum3A = vector.shape_cast %sub3A : vector<128x128xf32> to vector<1x128x128xf32>
    %reduce_sum3A_6 = arith.constant dense<0.000000e+00> : vector<1xf32>
    %reduce_sum3A_7 = vector.multi_reduction <add>, %reduce_sum3A, %reduce_sum3A_6 [1, 2] : vector<1x128x128xf32> to vector<1xf32>
    %reduce_sum3A_8 = vector.shape_cast %reduce_sum3A_7 : vector<1xf32> to vector<1x1x1xf32>
    %reduce_sum3A_9 = vector.extract %reduce_sum3A_8[0, 0, 0] : f32 from vector<1x1x1xf32>
    %neg3A_10 = arith.constant 0.000000e+00 : f32
    %neg3A_11 = arith.subf %neg3A_10, %reduce_sum3A_9 : f32
    %div3A = arith.constant 1.638400e+04 : f32
    %div3A_12 = arith.divf %neg3A_11, %div3A : f32
    %swap3A = arith.constant 0 : index
    %swap3A_13 = arith.constant 0 : index
    %swap3A_14 = memref.load %arg1[%swap3A, %swap3A_13] : memref<1x1xf32, #tpu.memory_space<smem>>
    memref.store %div3A_12, %arg1[%swap3A, %swap3A_13] : memref<1x1xf32, #tpu.memory_space<smem>>
    return
  }
}

</mosaic_0001>

<sc_bundles>
// kernel: kernel.4.cloned.1.call-start
scs
__scs_entry_jumppad:
0x0: {  	(pc) =	sbr.rel $0x88, $3  }
0x1: {  	(tag) =	ssettag $0x0;
	lr =	simm.s32 $0x1  }
0x2: {  	[smem:$0x3F9C] =	sst lr;
	_ =	strace $0xD0000000  }
0x3: {  	_ = 	snop  }
0x4: {  	_ = 	snop  }
0x5: {  	_ = 	snop  }
0x6: {  	_ = 	snop  }
0x7: {  	_ = 	snop  }
__scs_overlays_trampoline_lowered:
0x8: {  	[smem:$0x3FAB] =	sst s0  }
0x9: {  	[smem:$0x3FAC] =	sst s1  }
0xa: {  	[smem:$0x3FAD] =	sst s2  }
0xb: {  	[smem:$0x3FAE] =	sst s3  }
0xc: {  	[smem:$0x3FAF] =	sst s4  }
0xd: {  	[smem:$0x3FB0] =	sst s5  }
0xe: {  	[smem:$0x3FB1] =	sst s6  }
0xf: {  	[smem:$0x3FB2] =	sst s7  }
0x10: {  	[smem:$0x3FB3] =	sst s8  }
0x11: {  	[smem:$0x3FB4] =	sst s9;
	s0 =	simm.s32 @!p0 $0x0  }
0x12: {  	s1 =	sld [smem:$0x3F9A];
	s0 =	simm.s32 @p0 $0x1  }
0x13: {  	[smem:$0x3FB5] =	sst s0;
	s0 =	simm.s32 @!p1 $0x0  }
0x14: {  	s2 =	sld [smem:$0x3F99];
	s0 =	simm.s32 @p1 $0x1  }
0x15: {  	[smem:$0x3FB6] =	sst s0;
	s0 =	simm.s32 @!p2 $0x0  }
0x16: {  	s3 =	sld [smem:$0x3FDB];
	s0 =	simm.s32 @p2 $0x1  }
0x17: {  	s4 =	simm.s32 $0x1BF5;
	[smem:$0x3FB8] =	sst s0  }
0x18: {  	s0 =	sld [smem:$0x3F9B];
	_ =	swait.ge [sflag:s4], $0x0  }
0x19: {  	s7 =	sld [smem:$0x3F9C]  }
0x1a: {  	s8 =	sadd.s32 $0xFFFFE003, lr  }
0x1b: {  	s9 =	sadd.s32 $0xFFFFFEF7, lr;
	s5 =	simm.s32 $0xFFFFFFFF;
	p2 =	slt.u32 s8, $0xFFFFF086  }
0x1c: {  	p1 =	slt.u32 s9, $0xF7A;
	s5 =	simm.s32 @!p2 $0x0  }
0x1d: {  	s5 =	simm.s32 @p1 $0x1;
	p0 =	seq.s32 s7, s2  }
0x1e: {  	s7 =	smul.u32 @!p0 $0xF7A, s2;
	p2 =	seq.s32 @!p0 s5, $0x0  }
0x1f: {  	s9 =	smul.u32 $0xF7A, s1;
	s8 =	simm.s32 @!p0 $0x1BF5;
	p2 =	por !p2, p0  }
0x20: {  	[sflag:s8] =	ssyncset.s32 @!p0 $0xFFFFF086;
	s6 =	sadd.s32 @!p0 s3, s7;
	s7 =	simm.s32 @!p0 $0x108  }
0x21: {  	s3 =	sadd.s32 s3, s9;
	s6 =	sadd.s32 @!p0 $0x88, s6;
	s7 =	simm.s32 @p2 $0x1082  }
0x22: {  	[simem:s7], [sflag:s8] =	dma.local @!p0 [hbm:s6], $0xF7A  }
0x23: {  	s9 =	sor.u32 $0xD0000000, s2;
	s6 =	simm.s32 $0x108;
	_ =	swait.ge @!p0 [sflag:s8], $0x0  }
0x24: {  	s3 =	sadd.s32 $0x88, s3;
	s6 =	simm.s32 @!p1 $0x1082;
	[sflag:s4] =	ssyncset.s32 $0xFFFFF086  }
0x25: {  	[simem:s6], [sflag:s4] =	dma.local [hbm:s3], $0xF7A  }
0x26: {  	[smem:$0x3F9C] =	sst s1;
	(tag) =	ssettag s2;
	_ =	strace s9  }
0x27: {  	s1 =	sld [smem:$0x3FAC]  }
0x28: {  	s2 =	sld [smem:$0x3FAD]  }
0x29: {  	s4 =	sld [smem:$0x3FAF]  }
0x2a: {  	p0 =	seq.s32 s5, $0x0;
	s5 =	sld [smem:$0x3FB0]  }
0x2b: {  	s6 =	sld [smem:$0x3FB1]  }
0x2c: {  	s7 =	sld [smem:$0x3FB2]  }
0x2d: {  	s3 =	simm.s32 $0x108;
	s8 =	sld [smem:$0x3FB3]  }
0x2e: {  	s3 =	simm.s32 @!p0 $0x1082;
	s9 =	sld [smem:$0x3FB4]  }
0x2f: {  	lr =	sadd.s32 s0, s3;
	s0 =	sld [smem:$0x3FAB]  }
0x30: {  	s3 =	sld [smem:$0x3FAE]  }
0x31: {  	[smem:$0x3FB7] =	sst s10  }
0x32: {  	s10 =	sld [smem:$0x3FB5];
	_ =	sdelay $0x3  }
0x33: {  	p0 =	seq.s32 s10, $0x1;
	s10 =	sld [smem:$0x3FB7];
	_ =	sdelay $0x3  }
0x34: {  	[smem:$0x3FB7] =	sst s10  }
0x35: {  	s10 =	sld [smem:$0x3FB6];
	_ =	sdelay $0x3  }
0x36: {  	p1 =	seq.s32 s10, $0x1;
	s10 =	sld [smem:$0x3FB7];
	_ =	sdelay $0x3  }
0x37: {  	[smem:$0x3FB7] =	sst s10  }
0x38: {  	s10 =	sld [smem:$0x3FB8]  }
0x39: {  	_ = 	snop;
	(pc) =	sbr.ind lr, $3  }
0x3a: {  	_ = 	snop  }
0x3b: {  	_ = 	snop  }
0x3c: {  	p2 =	seq.s32 s10, $0x1;
	s10 =	sld [smem:$0x3FB7]  }
0x3d: {  	_ =	shalt  }
0x3e: {  	_ =	shalt  }
0x3f: {  	_ =	shalt  }
0x40: {  	_ =	shalt  }
0x41: {  	_ =	shalt  }
0x42: {  	_ =	shalt  }
0x43: {  	_ =	shalt  }
0x44: {  	_ =	shalt  }
0x45: {  	_ =	shalt  }
0x46: {  	_ =	shalt  }
0x47: {  	_ =	shalt  }
0x48: {  	_ =	shalt  }
0x49: {  	_ =	shalt  }
0x4a: {  	_ =	shalt  }
0x4b: {  	_ =	shalt  }
0x4c: {  	_ =	shalt  }
0x4d: {  	_ =	shalt  }
0x4e: {  	_ =	shalt  }
0x4f: {  	_ =	shalt  }
0x50: {  	_ =	shalt  }
0x51: {  	_ =	shalt  }
0x52: {  	_ =	shalt  }
0x53: {  	_ =	shalt  }
0x54: {  	_ =	shalt  }
0x55: {  	_ =	shalt  }
0x56: {  	_ =	shalt  }
0x57: {  	_ =	shalt  }
0x58: {  	_ =	shalt  }
0x59: {  	_ =	shalt  }
0x5a: {  	_ =	shalt  }
0x5b: {  	_ =	shalt  }
0x5c: {  	_ =	shalt  }
0x5d: {  	_ =	shalt  }
0x5e: {  	_ =	shalt  }
0x5f: {  	_ =	shalt  }
0x60: {  	_ =	shalt  }
0x61: {  	_ =	shalt  }
0x62: {  	_ =	shalt  }
0x63: {  	_ =	shalt  }
0x64: {  	_ =	shalt  }
0x65: {  	_ =	shalt  }
0x66: {  	_ =	shalt  }
0x67: {  	_ =	shalt  }
0x68: {  	_ =	shalt  }
0x69: {  	_ =	shalt  }
0x6a: {  	_ =	shalt  }
0x6b: {  	_ =	shalt  }
0x6c: {  	_ =	shalt  }
0x6d: {  	_ =	shalt  }
0x6e: {  	_ =	shalt  }
0x6f: {  	_ =	shalt  }
0x70: {  	_ =	shalt  }
0x71: {  	_ =	shalt  }
0x72: {  	_ =	shalt  }
0x73: {  	_ =	shalt  }
0x74: {  	_ =	shalt  }
0x75: {  	_ =	shalt  }
0x76: {  	_ =	shalt  }
0x77: {  	_ =	shalt  }
0x78: {  	_ =	shalt  }
0x79: {  	_ =	shalt  }
0x7a: {  	_ =	shalt  }
0x7b: {  	_ =	shalt  }
0x7c: {  	_ =	shalt  }
0x7d: {  	_ =	shalt  }
0x7e: {  	_ =	shalt  }
0x7f: {  	_ =	shalt  }
0x80: {  	_ =	shalt  }
0x81: {  	_ =	shalt  }
0x82: {  	_ =	shalt  }
0x83: {  	_ =	shalt  }
0x84: {  	_ =	shalt  }
0x85: {  	_ =	shalt  }
0x86: {  	_ =	shalt  }
0x87: {  	_ =	shalt  }
.Lfunc_end0:
.L_simem_size_0:
called_computation_lowered:
.L_overlay_start_0:
0x88: {  	s2 =	sld [smem:$0x3FD9]  }
0x89: {  	s3 =	sld [smem:$0x3FFE];
	_ =	sdelay $0x1  }
0x8a: {  	s1 =	srdreg.scid  }
0x8b: {  	s0 =	sand.u32 $0x1, s1  }
0x8c: {  	s17 =	sshll.u32 s0, $0xA;
	s2 =	sadd.s32 s3, s2  }
0x8d: {  	s2 =	sadd.s32 s2, s17  }
0x8e: {  	[smem:$0x3FC3] =	sst s2  }
0x8f: {  	_ = 	snop  }
0x90: {  	s2 =	sld [smem:$0x3FC6]  }
0x91: {  	s18 =	sld [smem:$0x3FC5];
	(tm) =	ssettm $0x1  }
0x92: {  	s4 =	sld [smem:$0x3FFB];
	_ =	sdelay $0x3  }
0x93: {  	_ =	strace s4  }
0x94: {  	s4 =	sld [smem:$0x3FFC];
	_ =	sdelay $0x3  }
0x95: {  	_ =	strace s4  }
0x96: {  	s4 =	sld [smem:$0x3FFD];
	_ =	sdelay $0x3  }
0x97: {  	_ =	strace s4  }
0x98: {  	_ =	strace $0x8FFFFFFF  }
0x99: {  	s19 =	sld [smem:$0x3FDB];
	_ =	sdelay $0x1  }
0x9a: {  	s5 =	simm.s32 $_scs_section_size  }
0x9b: {  	s6 =	simm.s32 $_size__tile_overlayer_lowered;
	s7 =	simm.s32 $_tile_overlayer_lowered  }
0x9c: {  	s22 =	simm.s32 $0x1BFF;
	s21 =	sshll.u32 s7, $0x1;
	s4 =	sadd.s32 s5, s19  }
0x9d: {  	s8 =	simm.s32 $0x0;
	s20 =	sshll.u32 s6, $0x1;
	s6 =	sadd.s32 s21, s4  }
0x9e: {  	[timem:s8], [sflag:s22] =	dma.local [hbm:s6], s20  }
0x9f: {  	_ =	swait.ge [sflag:s22], s20  }
0xa0: {  	s5 =	ssub.s32 $0x0, s20;
	[sflag:s22] =	ssyncset.done $0x0  }
0xa1: {  	[sflag:s22] =	ssyncadd.s32 s5;
	_ =	sdelay $0x1  }
0xa2: {  	s23 =	simm.s32 $0x1B8B  }
0xa3: {  	_ =	swait.ge [sflag:s23], $0x1  }
0xa4: {  	[sflag:s23] =	ssyncset.done $0x0  }
0xa5: {  	s25 =	simm.s32 $0x1B8E;
	s24 =	sld [smem:$0x3FFE];
	[sflag:s23] =	ssyncadd.s32 $0xFFFFFFFF  }
0xa6: {  	s26 =	simm.s32 $execute0_lowered;
	[smem:$0x3FD2] =	sst s25  }
0xa7: {  	s6 =	sshll.u32 s26, $0x1;
	_ =	strace $0x80000046;
	[dreg:$0x1] =	wrdreg $0xFFFFFFFF  }
0xa8: {  	s28 =	simm.s32 $_size_execute0_lowered;
	s4 =	sadd.s32 s4, s6;
	[dreg:$0x0] =	wrdreg $0x0  }
0xa9: {  	s6 =	sshll.u32 s28, $0x1;
	[dreg:$0x2] =	wrdreg s4  }
0xaa: {  	[dreg:$0x3] =	wrdreg s6  }
0xab: {  	[dreg:$0x4] =	wrdreg $0xC0  }
0xac: {  	_ =	task [dreg:s8], $0x5FFFF  }
0xad: {  	[dreg:$0x1] =	wrdreg $0xFFFFFFFF  }
0xae: {  	[dreg:$0x0] =	wrdreg $0x60  }
0xaf: {  	[dreg:$0x2] =	wrdreg s24  }
0xb0: {  	[dreg:$0x3] =	wrdreg s2  }
0xb1: {  	[dreg:$0x4] =	wrdreg s18  }
0xb2: {  	[dreg:$0x5] =	wrdreg $0x9  }
0xb3: {  	_ =	task.clear_ibuf [dreg:s8], $0x6FFFF;
	_ =	strace $0x90000046  }
0xb4: {  	s29 =	simm.s32 $0x9;
	_ =	strace $0x80000048  }
0xb5: {  	_ =	swait.ge [sflag:s29], $0x1  }
0xb6: {  	[sflag:s29] =	ssyncadd.s32 $0xFFFFFFFF  }
0xb7: {  	_ =	strace $0x90000048  }
0xb8: {  	_ =	sfence  }
0xb9: {  	s30 =	sld [smem:$0x0];
	_ =	sdelay $0x2  }
0xba: {  	s31 =	sshll.u32 s1, $0xD;
	s1 =	sshrl.u32 s1, $0x2  }
0xbb: {  	s3 =	sand.u32 $0x4000, s31;
	s1 =	sadd.s32 s1, s30  }
0xbc: {  	s0 =	sor.u32 s3, s0;
	s1 =	sshll.u32 s1, $0x11  }
0xbd: {  	s0 =	sor.u32 s1, s0  }
0xbe: {  	s0 =	sadd.s32 $0x8F2B, s0  }
0xbf: {  	[sflag:s0] =	ssyncadd.remote.s32 $0x1  }
0xc0: {  	_ =	sfence.sel $0xFFFF  }
0xc1: {  	[dreg:$0x0] =	wrdreg $0xFFFFFFFF;
	(pc) =	sbr.abs _section_cstart, $3  }
0xc2: {  	[dreg:$0x1] =	wrdreg $0xFFFFFFFF  }
0xc3: {  	_ =	task.clear_ibuf [dreg:s8], $0x2FFFF;
	_ =	strace $0x9FFFFFFF  }
0xc4: {  	(tm) =	ssettm $0x7FFFFFFF  }
0xc5: {  	_ =	shalt  }
tec
execute0_lowered:
.L_overlay_start_1:
0x0: {  	(tag) =	ssettag $0x1  }
0x1: {  	s5 =	rddreg [dreg:$0x0]  }
0x2: {  	s2 =	rddreg [dreg:$0x1]  }
0x3: {  	s3 =	rddreg [dreg:$0x2]  }
0x4: {  	s0 =	rddreg [dreg:$0x3]  }
0x5: {  	s6 =	srdreg.scid;
	s1 =	stileid.u32;
	s4 =	simm.s32 $0x0  }
0x6: {  	s11 =	simm.s32 $0x400;
	s12 =	simm.s32 $0x3;
	s13 =	simm.s32 $0x280  }
0x7: {  	s14 =	simm.s32 $0x500;
	s15 =	simm.s32 $0x780;
	s16 =	simm.s32 $0x8780  }
0x8: {  	s17 =	simm.s32 $0x10780;
	s18 =	simm.s32 $0x18780;
	s19 =	simm.s32 $0x0  }
0x9: {  	s6 =	sand.u32 $0x1, s6;
	s7 =	sshll.u32 s1, $0x5;
	s8 =	sshll.u32 s1, $0x7  }
0xa: {  	s9 =	sshll.u32 s6, $0x4;
	s7 =	sand.u32 $0x60, s7;
	s8 =	sand.u32 $0x600, s8  }
.Ltmp0:
0xb: {  	v0 =	vlaneseq.u32;
	s6 =	ssub.s32 $0x2, s6;
	s7 =	sor.u32 s9, s7;
	(pc) =	sbr.rel .LBB2_1-.Ltmp0, $4  }
0xc: {  	[smem:$0x7FF] =	sst s4;
	v1 =	vshrl.u32 v0, $0x3;
	s30 =	sshrl.u32 s6, $0x1;
	s7 =	sor.u32 s8, s7  }
0xd: {  	_ =	strace $0x80000047;
	v1 =	vmul.u32 $0x2000, v1;
	s10 =	ssub.s32 s6, s30;
	s31 =	sadd.s32 s7, s5  }
0xe: {  	v4 =	vand.u32 $0x7, v0;
	s9 =	smax.u32 s10, $0x1;
	s10 =	simm.s32 $0x80;
	s5 =	sadd.s32 $0x400, s31  }
0xf: {  	v2 =	vimm.f32 $0.0e+00;
	v4 =	vmul.u32 $0x80, v4;
	v3 =	vor.u32 $0x4000, v1;
	s6 =	sadd.s32 $0xC00, s31;
	s7 =	sadd.s32 $0x1400, s31;
	s8 =	sadd.s32 $0x1C00, s31  }
.LBB2_8:
0x10: {  	s19 =	sadd.s32 $0x1, s19  }
0x11: {  	p0 =	sne.s32 s19, s9  }
.Ltmp1:
0x12: {  	_ = 	snop;
	(pc) =	sbr.rel @!p0 .LBB2_9-.Ltmp1, $4  }
0x13: {  	[hbm4b:s8+s10] =	stream.strided.scatter [tilespmem:s18], [sflag:$0x3], $0x200, s11, s10, $0x38;
	[tilespmem:$0x18980] =	vst v63  }
0x14: {  	_ =	swait.ge [sflag:s12], $0x200  }
0x15: {  	[sflag:s12] =	ssyncset.done $0x0  }
0x16: {  	[sflag:s12] =	ssyncadd.s32 $0xFFFFFE00  }
.LBB2_1:
0x17: {  	[tilespmem:s4], [sflag:$0x3] =	stream.strided.gather [hbm4b:s5+s10], $0x200, s11, s10, $0x38;
	[tilespmem:$0x18980] =	vst v63  }
0x18: {  	_ =	swait.ge [sflag:s12], $0x200  }
0x19: {  	[sflag:s12] =	ssyncset.done $0x0  }
0x1a: {  	[sflag:s12] =	ssyncadd.s32 $0xFFFFFE00  }
0x1b: {  	[tilespmem:s13], [sflag:$0x3] =	stream.strided.gather [hbm4b:s6+s10], $0x200, s11, s10, $0x38;
	[tilespmem:$0x18980] =	vst v63  }
0x1c: {  	_ =	swait.ge [sflag:s12], $0x200  }
0x1d: {  	[sflag:s12] =	ssyncset.done $0x0  }
0x1e: {  	[sflag:s12] =	ssyncadd.s32 $0xFFFFFE00  }
0x1f: {  	[tilespmem:s14], [sflag:$0x3] =	stream.strided.gather [hbm4b:s7+s10], $0x200, s11, s10, $0x38;
	[tilespmem:$0x18980] =	vst v63  }
0x20: {  	_ =	swait.ge [sflag:s12], $0x200  }
0x21: {  	[sflag:s12] =	ssyncset.done $0x0  }
0x22: {  	[sflag:s12] =	ssyncadd.s32 $0xFFFFFE00  }
0x23: {  	[tilespmem:$0x18780] =	vst v2  }
0x24: {  	[tilespmem:$0x18790] =	vst v2  }
0x25: {  	[tilespmem:$0x187A0] =	vst v2  }
0x26: {  	[tilespmem:$0x187B0] =	vst v2  }
0x27: {  	[tilespmem:$0x187C0] =	vst v2  }
0x28: {  	[tilespmem:$0x187D0] =	vst v2  }
0x29: {  	[tilespmem:$0x187E0] =	vst v2  }
0x2a: {  	[tilespmem:$0x187F0] =	vst v2  }
0x2b: {  	[tilespmem:$0x18800] =	vst v2  }
0x2c: {  	[tilespmem:$0x18810] =	vst v2  }
0x2d: {  	[tilespmem:$0x18820] =	vst v2  }
0x2e: {  	[tilespmem:$0x18830] =	vst v2  }
0x2f: {  	[tilespmem:$0x18840] =	vst v2  }
0x30: {  	[tilespmem:$0x18850] =	vst v2  }
0x31: {  	[tilespmem:$0x18860] =	vst v2  }
0x32: {  	[tilespmem:$0x18870] =	vst v2  }
0x33: {  	[tilespmem:$0x18880] =	vst v2  }
0x34: {  	[tilespmem:$0x18890] =	vst v2  }
0x35: {  	[tilespmem:$0x188A0] =	vst v2  }
0x36: {  	[tilespmem:$0x188B0] =	vst v2  }
0x37: {  	[tilespmem:$0x188C0] =	vst v2  }
0x38: {  	[tilespmem:$0x188D0] =	vst v2  }
0x39: {  	[tilespmem:$0x188E0] =	vst v2  }
0x3a: {  	[tilespmem:$0x188F0] =	vst v2  }
0x3b: {  	[tilespmem:$0x18900] =	vst v2  }
0x3c: {  	[tilespmem:$0x18910] =	vst v2  }
0x3d: {  	[tilespmem:$0x18920] =	vst v2  }
.Ltmp2:
0x3e: {  	[tilespmem:$0x18930] =	vst v2;
	(pc) =	sbr.rel .LBB2_2-.Ltmp2, $4  }
0x3f: {  	[tilespmem:$0x18940] =	vst v2  }
0x40: {  	[tilespmem:$0x18950] =	vst v2  }
0x41: {  	[tilespmem:$0x18960] =	vst v2  }
0x42: {  	s20 =	simm.s32 $0x0;
	[tilespmem:$0x18970] =	vst v2  }
.LBB2_7:
0x43: {  	s20 =	sadd.s32 $0x1, s20  }
0x44: {  	p0 =	sne.s32 s20, $0x81  }
.Ltmp3:
0x45: {  	_ = 	snop;
	(pc) =	sbr.rel @!p0 .LBB2_8-.Ltmp3, $1  }
0x46: {  	_ =	sdelay $0x3  }
.LBB2_2:
0x47: {  	p0 =	seq.s32 s20, $0x80  }
.Ltmp4:
0x48: {  	_ = 	snop;
	(pc) =	sbr.rel @p0 .LBB2_4-.Ltmp4, $1  }
0x49: {  	_ =	sdelay $0x3  }
0x4a: {  	s21 =	sshll.u32 s20, $0x2  }
0x4b: {  	v7 =	vld [tilespmem:s21+$0x0];
	_ =	sdelay $0x4  }
0x4c: {  	(v2sf) =	vpush v7, $0x0;
	_ =	sdelay $0x2  }
0x4d: {  	v6 =	vld [tilespmem:s21+$0x280];
	_ =	sdelay $0x4  }
0x4e: {  	(v2sf) =	vpush v6, $0x0;
	_ =	sdelay $0x3  }
0x4f: {  	v5 =	vld [tilespmem:s21+$0x500];
	_ =	sdelay $0x2  }
0x50: {  	s22 =	sand.u32 $0x1, s20;
	s23 =	spop (v2sf)  }
0x51: {  	s21 =	sshll.u32 s22, $0xC;
	s23 =	sand.u32 $0xFFFFF80, s23  }
0x52: {  	s22 =	sadd.s32 $0x1, s22;
	s24 =	sor.u32 $0x780, s21;
	(v2sf) =	vpush v5, $0x0;
	s23 =	sadd.s32 s3, s23  }
0x53: {  	[tilespmem:s24], [sflag:s22] =	stream.linear.gather [hbm4b:s23+s4], $0x400, $0x38;
	[tilespmem:$0x18980] =	vst v63  }
0x54: {  	s28 =	sor.u32 $0x2780, s21;
	s25 =	sadd.s32 $0xF4280, s23  }
0x55: {  	[tilespmem:s28], [sflag:s22] =	stream.linear.gather [hbm4b:s25+s4], $0x400, $0x38;
	[tilespmem:$0x18980] =	vst v63  }
0x56: {  	s29 =	sor.u32 $0x4780, s21;
	s30 =	sadd.s32 $0x1E8500, s23  }
0x57: {  	[tilespmem:s29], [sflag:s22] =	stream.linear.gather [hbm4b:s30+s4], $0x400, $0x38;
	[tilespmem:$0x18980] =	vst v63  }
0x58: {  	s31 =	sor.u32 $0x6780, s21;
	s23 =	sadd.s32 $0x2DC780, s23;
	s24 =	spop (v2sf)  }
0x59: {  	[tilespmem:s31], [sflag:s22] =	stream.linear.gather [hbm4b:s23+s4], $0x400, $0x38;
	[tilespmem:$0x18980] =	vst v63  }
0x5a: {  	s23 =	sand.u32 $0xFFFFF80, s24  }
0x5b: {  	(v2sf) =	vpush v7, $0x1;
	s25 =	sor.u32 $0x8780, s21;
	s23 =	sadd.s32 s2, s23  }
0x5c: {  	[tilespmem:s25], [sflag:s22] =	stream.linear.gather [hbm4b:s23+s4], $0x400, $0x38;
	[tilespmem:$0x18980] =	vst v63  }
0x5d: {  	s26 =	sor.u32 $0xA780, s21;
	s28 =	sadd.s32 $0xF4280, s23  }
0x5e: {  	[tilespmem:s26], [sflag:s22] =	stream.linear.gather [hbm4b:s28+s4], $0x400, $0x38;
	[tilespmem:$0x18980] =	vst v63  }
0x5f: {  	s29 =	sor.u32 $0xC780, s21;
	s30 =	sadd.s32 $0x1E8500, s23  }
0x60: {  	[tilespmem:s29], [sflag:s22] =	stream.linear.gather [hbm4b:s30+s4], $0x400, $0x38;
	[tilespmem:$0x18980] =	vst v63  }
0x61: {  	s31 =	sor.u32 $0xE780, s21;
	s23 =	sadd.s32 $0x2DC780, s23;
	s24 =	spop (v2sf)  }
0x62: {  	[tilespmem:s31], [sflag:s22] =	stream.linear.gather [hbm4b:s23+s4], $0x400, $0x38;
	[tilespmem:$0x18980] =	vst v63  }
0x63: {  	s23 =	sand.u32 $0xFFFFF80, s24  }
0x64: {  	s25 =	sor.u32 $0x10780, s21;
	(v2sf) =	vpush v6, $0x1;
	s23 =	sadd.s32 s2, s23  }
0x65: {  	[tilespmem:s25], [sflag:s22] =	stream.linear.gather [hbm4b:s23+s4], $0x400, $0x38;
	[tilespmem:$0x18980] =	vst v63  }
0x66: {  	s26 =	sor.u32 $0x12780, s21;
	s28 =	sadd.s32 $0xF4280, s23  }
0x67: {  	[tilespmem:s26], [sflag:s22] =	stream.linear.gather [hbm4b:s28+s4], $0x400, $0x38;
	[tilespmem:$0x18980] =	vst v63  }
0x68: {  	s29 =	sor.u32 $0x14780, s21;
	s30 =	sadd.s32 $0x1E8500, s23  }
0x69: {  	[tilespmem:s29], [sflag:s22] =	stream.linear.gather [hbm4b:s30+s4], $0x400, $0x38;
	[tilespmem:$0x18980] =	vst v63  }
0x6a: {  	s31 =	sor.u32 $0x16780, s21;
	s24 =	spop (v2sf);
	s23 =	sadd.s32 $0x2DC780, s23  }
0x6b: {  	[tilespmem:s31], [sflag:s22] =	stream.linear.gather [hbm4b:s23+s4], $0x400, $0x38;
	[tilespmem:$0x18980] =	vst v63  }
0x6c: {  	s23 =	sand.u32 $0xFFFFF80, s24  }
0x6d: {  	(v2sf) =	vpush v5, $0x1;
	s25 =	sor.u32 $0xB80, s21;
	s23 =	sadd.s32 s3, s23  }
0x6e: {  	[tilespmem:s25], [sflag:s22] =	stream.linear.gather [hbm4b:s23+s4], $0x400, $0x38;
	[tilespmem:$0x18980] =	vst v63  }
0x6f: {  	s26 =	sor.u32 $0x2B80, s21;
	s28 =	sadd.s32 $0xF4280, s23  }
0x70: {  	[tilespmem:s26], [sflag:s22] =	stream.linear.gather [hbm4b:s28+s4], $0x400, $0x38;
	[tilespmem:$0x18980] =	vst v63  }
0x71: {  	s29 =	sor.u32 $0x4B80, s21;
	s30 =	sadd.s32 $0x1E8500, s23  }
0x72: {  	[tilespmem:s29], [sflag:s22] =	stream.linear.gather [hbm4b:s30+s4], $0x400, $0x38;
	[tilespmem:$0x18980] =	vst v63  }
0x73: {  	s31 =	sor.u32 $0x6B80, s21;
	s23 =	sadd.s32 $0x2DC780, s23;
	s24 =	spop (v2sf)  }
0x74: {  	[tilespmem:s31], [sflag:s22] =	stream.linear.gather [hbm4b:s23+s4], $0x400, $0x38;
	[tilespmem:$0x18980] =	vst v63  }
0x75: {  	s23 =	sand.u32 $0xFFFFF80, s24  }
0x76: {  	s25 =	sor.u32 $0x8B80, s21;
	(v2sf) =	vpush v7, $0x2;
	s23 =	sadd.s32 s2, s23  }
0x77: {  	[tilespmem:s25], [sflag:s22] =	stream.linear.gather [hbm4b:s23+s4], $0x400, $0x38;
	[tilespmem:$0x18980] =	vst v63  }
0x78: {  	s26 =	sor.u32 $0xAB80, s21;
	s28 =	sadd.s32 $0xF4280, s23  }
0x79: {  	[tilespmem:s26], [sflag:s22] =	stream.linear.gather [hbm4b:s28+s4], $0x400, $0x38;
	[tilespmem:$0x18980] =	vst v63  }
0x7a: {  	s29 =	sor.u32 $0xCB80, s21;
	s30 =	sadd.s32 $0x1E8500, s23  }
0x7b: {  	[tilespmem:s29], [sflag:s22] =	stream.linear.gather [hbm4b:s30+s4], $0x400, $0x38;
	[tilespmem:$0x18980] =	vst v63  }
0x7c: {  	s31 =	sor.u32 $0xEB80, s21;
	s24 =	spop (v2sf);
	s23 =	sadd.s32 $0x2DC780, s23  }
0x7d: {  	[tilespmem:s31], [sflag:s22] =	stream.linear.gather [hbm4b:s23+s4], $0x400, $0x38;
	[tilespmem:$0x18980] =	vst v63  }
0x7e: {  	s23 =	sand.u32 $0xFFFFF80, s24  }
0x7f: {  	(v2sf) =	vpush v6, $0x2;
	s25 =	sor.u32 $0x10B80, s21;
	s23 =	sadd.s32 s2, s23  }
0x80: {  	[tilespmem:s25], [sflag:s22] =	stream.linear.gather [hbm4b:s23+s4], $0x400, $0x38;
	[tilespmem:$0x18980] =	vst v63  }
0x81: {  	s26 =	sor.u32 $0x12B80, s21;
	s28 =	sadd.s32 $0xF4280, s23  }
0x82: {  	[tilespmem:s26], [sflag:s22] =	stream.linear.gather [hbm4b:s28+s4], $0x400, $0x38;
	[tilespmem:$0x18980] =	vst v63  }
0x83: {  	s29 =	sor.u32 $0x14B80, s21;
	s30 =	sadd.s32 $0x1E8500, s23  }
0x84: {  	[tilespmem:s29], [sflag:s22] =	stream.linear.gather [hbm4b:s30+s4], $0x400, $0x38;
	[tilespmem:$0x18980] =	vst v63  }
0x85: {  	s31 =	sor.u32 $0x16B80, s21;
	s23 =	sadd.s32 $0x2DC780, s23;
	s24 =	spop (v2sf)  }
0x86: {  	[tilespmem:s31], [sflag:s22] =	stream.linear.gather [hbm4b:s23+s4], $0x400, $0x38;
	[tilespmem:$0x18980] =	vst v63  }
0x87: {  	s23 =	sand.u32 $0xFFFFF80, s24  }
0x88: {  	s25 =	sor.u32 $0xF80, s21;
	(v2sf) =	vpush v5, $0x2;
	s23 =	sadd.s32 s3, s23  }
0x89: {  	[tilespmem:s25], [sflag:s22] =	stream.linear.gather [hbm4b:s23+s4], $0x400, $0x38;
	[tilespmem:$0x18980] =	vst v63  }
0x8a: {  	s26 =	sor.u32 $0x2F80, s21;
	s28 =	sadd.s32 $0xF4280, s23  }
0x8b: {  	[tilespmem:s26], [sflag:s22] =	stream.linear.gather [hbm4b:s28+s4], $0x400, $0x38;
	[tilespmem:$0x18980] =	vst v63  }
0x8c: {  	s29 =	sor.u32 $0x4F80, s21;
	s30 =	sadd.s32 $0x1E8500, s23  }
0x8d: {  	[tilespmem:s29], [sflag:s22] =	stream.linear.gather [hbm4b:s30+s4], $0x400, $0x38;
	[tilespmem:$0x18980] =	vst v63  }
0x8e: {  	s31 =	sor.u32 $0x6F80, s21;
	s23 =	sadd.s32 $0x2DC780, s23;
	s25 =	spop (v2sf)  }
0x8f: {  	[tilespmem:s31], [sflag:s22] =	stream.linear.gather [hbm4b:s23+s4], $0x400, $0x38;
	[tilespmem:$0x18980] =	vst v63  }
0x90: {  	s23 =	sand.u32 $0xFFFFF80, s25  }
0x91: {  	(v2sf) =	vpush v7, $0x3;
	s26 =	sor.u32 $0x8F80, s21;
	s23 =	sadd.s32 s2, s23  }
0x92: {  	[tilespmem:s26], [sflag:s22] =	stream.linear.gather [hbm4b:s23+s4], $0x400, $0x38;
	[tilespmem:$0x18980] =	vst v63  }
0x93: {  	s28 =	sor.u32 $0xAF80, s21;
	s29 =	sadd.s32 $0xF4280, s23  }
0x94: {  	[tilespmem:s28], [sflag:s22] =	stream.linear.gather [hbm4b:s29+s4], $0x400, $0x38;
	[tilespmem:$0x18980] =	vst v63  }
0x95: {  	s30 =	sor.u32 $0xCF80, s21;
	s31 =	sadd.s32 $0x1E8500, s23  }
0x96: {  	[tilespmem:s30], [sflag:s22] =	stream.linear.gather [hbm4b:s31+s4], $0x400, $0x38;
	[tilespmem:$0x18980] =	vst v63  }
0x97: {  	s26 =	sor.u32 $0xEF80, s21;
	s23 =	sadd.s32 $0x2DC780, s23;
	s28 =	spop (v2sf)  }
0x98: {  	(v2sf) =	vpush v6, $0x3;
	[tilespmem:s26], [sflag:s22] =	stream.linear.gather [hbm4b:s23+s4], $0x400, $0x38;
	[tilespmem:$0x18980] =	vst v63  }
0x99: {  	s23 =	sand.u32 $0xFFFFF80, s28  }
0x9a: {  	s29 =	sor.u32 $0x10F80, s21;
	s23 =	sadd.s32 s2, s23  }
0x9b: {  	[tilespmem:s29], [sflag:s22] =	stream.linear.gather [hbm4b:s23+s4], $0x400, $0x38;
	[tilespmem:$0x18980] =	vst v63  }
0x9c: {  	s30 =	sor.u32 $0x12F80, s21;
	s31 =	sadd.s32 $0xF4280, s23  }
0x9d: {  	[tilespmem:s30], [sflag:s22] =	stream.linear.gather [hbm4b:s31+s4], $0x400, $0x38;
	[tilespmem:$0x18980] =	vst v63  }
0x9e: {  	s26 =	sor.u32 $0x14F80, s21;
	s28 =	sadd.s32 $0x1E8500, s23  }
0x9f: {  	[tilespmem:s26], [sflag:s22] =	stream.linear.gather [hbm4b:s28+s4], $0x400, $0x38;
	[tilespmem:$0x18980] =	vst v63  }
0xa0: {  	s29 =	sor.u32 $0x16F80, s21;
	s23 =	sadd.s32 $0x2DC780, s23;
	s30 =	spop (v2sf)  }
0xa1: {  	[tilespmem:s29], [sflag:s22] =	stream.linear.gather [hbm4b:s23+s4], $0x400, $0x38;
	[tilespmem:$0x18980] =	vst v63  }
0xa2: {  	(v2sf) =	vpush v5, $0x3;
	s23 =	sand.u32 $0xFFFFF80, s30  }
0xa3: {  	s31 =	sadd.s32 $0x1380, s21;
	s23 =	sadd.s32 s3, s23  }
0xa4: {  	[tilespmem:s31], [sflag:s22] =	stream.linear.gather [hbm4b:s23+s4], $0x400, $0x38;
	[tilespmem:$0x18980] =	vst v63  }
0xa5: {  	s25 =	sadd.s32 $0x3380, s21;
	s28 =	sadd.s32 $0x5380, s21;
	s26 =	sadd.s32 $0xF4280, s23  }
0xa6: {  	[tilespmem:s25], [sflag:s22] =	stream.linear.gather [hbm4b:s26+s4], $0x400, $0x38;
	[tilespmem:$0x18980] =	vst v63  }
0xa7: {  	s29 =	sadd.s32 $0x1E8500, s23;
	s31 =	sadd.s32 $0x7380, s21;
	s30 =	spop (v2sf)  }
0xa8: {  	[tilespmem:s28], [sflag:s22] =	stream.linear.gather [hbm4b:s29+s4], $0x400, $0x38;
	[tilespmem:$0x18980] =	vst v63  }
0xa9: {  	s23 =	sadd.s32 $0x2DC780, s23;
	s24 =	sand.u32 $0xFFFFF80, s30  }
0xaa: {  	[tilespmem:s31], [sflag:s22] =	stream.linear.gather [hbm4b:s23+s4], $0x400, $0x38;
	[tilespmem:$0x18980] =	vst v63  }
0xab: {  	s25 =	sadd.s32 $0x9380, s21;
	s23 =	sadd.s32 s2, s24  }
0xac: {  	[tilespmem:s25], [sflag:s22] =	stream.linear.gather [hbm4b:s23+s4], $0x400, $0x38;
	[tilespmem:$0x18980] =	vst v63  }
0xad: {  	s26 =	sadd.s32 $0xB380, s21;
	s28 =	sadd.s32 $0xF4280, s23  }
0xae: {  	[tilespmem:s26], [sflag:s22] =	stream.linear.gather [hbm4b:s28+s4], $0x400, $0x38;
	[tilespmem:$0x18980] =	vst v63  }
0xaf: {  	s29 =	sadd.s32 $0xD380, s21;
	s30 =	sadd.s32 $0x1E8500, s23  }
0xb0: {  	[tilespmem:s29], [sflag:s22] =	stream.linear.gather [hbm4b:s30+s4], $0x400, $0x38;
	[tilespmem:$0x18980] =	vst v63  }
0xb1: {  	s31 =	sadd.s32 $0xF380, s21;
	s23 =	sadd.s32 $0x2DC780, s23;
	s25 =	spop (v2sf)  }
0xb2: {  	[tilespmem:s31], [sflag:s22] =	stream.linear.gather [hbm4b:s23+s4], $0x400, $0x38;
	[tilespmem:$0x18980] =	vst v63  }
0xb3: {  	s23 =	sand.u32 $0xFFFFF80, s25  }
0xb4: {  	s26 =	sadd.s32 $0x11380, s21;
	s23 =	sadd.s32 s2, s23  }
0xb5: {  	[tilespmem:s26], [sflag:s22] =	stream.linear.gather [hbm4b:s23+s4], $0x400, $0x38;
	[tilespmem:$0x18980] =	vst v63  }
0xb6: {  	p0 =	seq.s32 s20, $0x0;
	s28 =	sadd.s32 $0x13380, s21;
	s29 =	sadd.s32 $0xF4280, s23  }
0xb7: {  	[tilespmem:s28], [sflag:s22] =	stream.linear.gather [hbm4b:s29+s4], $0x400, $0x38;
	[tilespmem:$0x18980] =	vst v63  }
.Ltmp5:
0xb8: {  	_ = 	snop;
	(pc) =	sbr.rel @p0 .LBB2_7-.Ltmp5, $4  }
0xb9: {  	s30 =	sadd.s32 $0x15380, s21;
	s31 =	sadd.s32 $0x1E8500, s23  }
0xba: {  	[tilespmem:s30], [sflag:s22] =	stream.linear.gather [hbm4b:s31+s4], $0x400, $0x38;
	[tilespmem:$0x18980] =	vst v63  }
0xbb: {  	s21 =	sadd.s32 $0x17380, s21;
	s23 =	sadd.s32 $0x2DC780, s23  }
0xbc: {  	[tilespmem:s21], [sflag:s22] =	stream.linear.gather [hbm4b:s23+s4], $0x400, $0x38;
	[tilespmem:$0x18980] =	vst v63  }
.LBB2_4:
0xbd: {  	s21 =	sadd.s32 $0xFFFFFFFF, s20  }
0xbe: {  	s22 =	sand.u32 $0x1, s21  }
0xbf: {  	s23 =	sadd.s32 $0x1, s22  }
0xc0: {  	_ =	swait.ge [sflag:s23], $0x400  }
0xc1: {  	s24 =	simm.s32 $0x2F;
	[sflag:s23] =	ssyncset.done $0x0  }
.LBB2_5:
0xc2: {  	p0 =	sne.s32 s24, $0x1;
	s24 =	sadd.s32 $0xFFFFFFFF, s24;
	[sflag:s23] =	ssyncadd.s32 $0xFFFFFC00  }
.Ltmp6:
0xc3: {  	(pc) =	sbr.rel @p0 .LBB2_5-.Ltmp6, $3  }
0xc4: {  	_ =	sdelay $0x1  }
0xc5: {  	_ =	swait.ge [sflag:s23], $0x400  }
0xc6: {  	[sflag:s23] =	ssyncset.done $0x0  }
0xc7: {  	[sflag:s23] =	ssyncadd.s32 $0xFFFFFC00;
	s21 =	sshll.u32 s21, $0x2  }
0xc8: {  	v5 =	vld [tilespmem:s21+$0x0]  }
0xc9: {  	v6 =	vld [tilespmem:s21+$0x280];
	_ =	sdelay $0x1  }
0xca: {  	v7 =	vld [tilespmem:s21+$0x500];
	_ =	sdelay $0x1  }
0xcb: {  	(v2sf) =	vpush v5, $0x0  }
0xcc: {  	(v2sf) =	vpush v6, $0x0;
	_ =	sdelay $0x1  }
0xcd: {  	(v2sf) =	vpush v7, $0x0;
	_ =	sdelay $0x9  }
0xce: {  	s25 =	sshll.u32 s22, $0x2  }
0xcf: {  	v8 =	vmov s25  }
0xd0: {  	v8 =	vshll.u32 v8, $0xA;
	s29 =	spop (v2sf)  }
0xd1: {  	v9 =	vor.u32 v1, v8;
	s24 =	spop (v2sf)  }
0xd2: {  	v8 =	vor.u32 v3, v8;
	v9 =	vor.u32 v4, v9;
	s24 =	sand.u32 $0x7F, s24  }
0xd3: {  	v8 =	vor.u32 v4, v8;
	s26 =	spop (v2sf);
	v10 =	vor.u32 s24, v9  }
0xd4: {  	s26 =	sand.u32 $0x7F, s26;
	v12 =	vor.u32 s24, v8  }
0xd5: {  	v11 =	vor.u32 s26, v9  }
0xd6: {  	s23 =	sand.u32 $0x7F, s29;
	v13 =	vor.u32 s26, v8  }
0xd7: {  	v9 =	vor.u32 s23, v9  }
0xd8: {  	v8 =	vor.u32 s23, v8;
	v10 =	vld.idx.msk [tilespmem:v10+s16+$0x0], $0xffff  }
0xd9: {  	v12 =	vld.idx.msk [tilespmem:v12+s16+$0x0], $0xffff  }
0xda: {  	v11 =	vld.idx.msk [tilespmem:v11+s17+$0x0], $0xffff  }
0xdb: {  	v13 =	vld.idx.msk [tilespmem:v13+s17+$0x0], $0xffff  }
0xdc: {  	v9 =	vld.idx.msk [tilespmem:v9+s15+$0x0], $0xffff  }
0xdd: {  	v8 =	vld.idx.msk [tilespmem:v8+s15+$0x0], $0xffff;
	_ =	sdelay $0x1  }
0xde: {  	v10 =	vsub.f32 v10, v11  }
0xdf: {  	v39 =	vsub.f32 v12, v13  }
0xe0: {  	v9 =	vmul.f32 v10, v9  }
0xe1: {  	v8 =	vmul.f32 v39, v8  }
0xe2: {  	(xrf2) =	vadd.scan.msk.f32 $0xffff, v9  }
0xe3: {  	(xrf2) =	vadd.scan.msk.f32 $0xffff, v8;
	_ =	sdelay $0x8  }
0xe4: {  	v40, _, _ =	vpop (xrf2)  }
0xe5: {  	(v2sf) =	vpush v40, $0xF;
	v41, _, _ =	vpop (xrf2)  }
0xe6: {  	(v2sf) =	vpush v41, $0xF  }
0xe7: {  	(v2sf) =	vpush v5, $0x1  }
0xe8: {  	(v2sf) =	vpush v6, $0x1;
	_ =	sdelay $0x1  }
0xe9: {  	(v2sf) =	vpush v7, $0x1;
	_ =	sdelay $0x9  }
0xea: {  	s30 =	sor.u32 $0x1, s25;
	s23 =	spop (v2sf)  }
0xeb: {  	v42 =	vmov s30;
	s24 =	spop (v2sf)  }
0xec: {  	v8 =	vshll.u32 v42, $0xA;
	s31 =	spop (v2sf)  }
0xed: {  	v43 =	vor.u32 v1, v8;
	s28 =	spop (v2sf)  }
0xee: {  	v8 =	vor.u32 v3, v8;
	v9 =	vor.u32 v4, v43;
	s28 =	sand.u32 $0x7F, s28  }
0xef: {  	v8 =	vor.u32 v4, v8;
	s29 =	spop (v2sf);
	v44 =	vor.u32 s28, v9  }
0xf0: {  	s29 =	sand.u32 $0x7F, s29;
	v46 =	vor.u32 s28, v8  }
0xf1: {  	v45 =	vor.u32 s29, v9  }
0xf2: {  	s26 =	sand.u32 $0x7F, s31;
	v47 =	vor.u32 s29, v8  }
0xf3: {  	v9 =	vor.u32 s26, v9  }
0xf4: {  	v8 =	vor.u32 s26, v8;
	v10 =	vld.idx.msk [tilespmem:v44+s16+$0x0], $0xffff  }
0xf5: {  	v12 =	vld.idx.msk [tilespmem:v46+s16+$0x0], $0xffff  }
0xf6: {  	v11 =	vld.idx.msk [tilespmem:v45+s17+$0x0], $0xffff  }
0xf7: {  	v13 =	vld.idx.msk [tilespmem:v47+s17+$0x0], $0xffff  }
0xf8: {  	v9 =	vld.idx.msk [tilespmem:v9+s15+$0x0], $0xffff  }
0xf9: {  	v8 =	vld.idx.msk [tilespmem:v8+s15+$0x0], $0xffff;
	_ =	sdelay $0x1  }
0xfa: {  	v10 =	vsub.f32 v10, v11  }
0xfb: {  	v48 =	vsub.f32 v12, v13  }
0xfc: {  	v9 =	vmul.f32 v10, v9  }
0xfd: {  	v8 =	vmul.f32 v48, v8  }
0xfe: {  	(xrf2) =	vadd.scan.msk.f32 $0xffff, v9  }
0xff: {  	(xrf2) =	vadd.scan.msk.f32 $0xffff, v8;
	_ =	sdelay $0x8  }
0x100: {  	v49, _, _ =	vpop (xrf2)  }
0x101: {  	(v2sf) =	vpush v49, $0xF;
	v50, _, _ =	vpop (xrf2)  }
0x102: {  	(v2sf) =	vpush v50, $0xF  }
0x103: {  	(v2sf) =	vpush v5, $0x2  }
0x104: {  	(v2sf) =	vpush v6, $0x2;
	_ =	sdelay $0x1  }
0x105: {  	(v2sf) =	vpush v7, $0x2;
	_ =	sdelay $0x9  }
0x106: {  	s30 =	sor.u32 $0x2, s25;
	s26 =	spop (v2sf)  }
0x107: {  	v51 =	vmov s30;
	s25 =	spop (v2sf)  }
0x108: {  	v8 =	vshll.u32 v51, $0xA;
	s28 =	spop (v2sf)  }
0x109: {  	v52 =	vor.u32 v1, v8;
	s31 =	spop (v2sf)  }
0x10a: {  	v8 =	vor.u32 v3, v8;
	v9 =	vor.u32 v4, v52;
	s29 =	sand.u32 $0x7F, s31  }
0x10b: {  	v8 =	vor.u32 v4, v8;
	s30 =	spop (v2sf);
	v53 =	vor.u32 s29, v9  }
0x10c: {  	s30 =	sand.u32 $0x7F, s30;
	v55 =	vor.u32 s29, v8  }
0x10d: {  	v54 =	vor.u32 s30, v9  }
0x10e: {  	s28 =	sand.u32 $0x7F, s28;
	v56 =	vor.u32 s30, v8  }
0x10f: {  	v9 =	vor.u32 s28, v9  }
0x110: {  	v8 =	vor.u32 s28, v8;
	v10 =	vld.idx.msk [tilespmem:v53+s16+$0x0], $0xffff  }
0x111: {  	v12 =	vld.idx.msk [tilespmem:v55+s16+$0x0], $0xffff  }
0x112: {  	v11 =	vld.idx.msk [tilespmem:v54+s17+$0x0], $0xffff  }
0x113: {  	v13 =	vld.idx.msk [tilespmem:v56+s17+$0x0], $0xffff  }
0x114: {  	v9 =	vld.idx.msk [tilespmem:v9+s15+$0x0], $0xffff  }
0x115: {  	v8 =	vld.idx.msk [tilespmem:v8+s15+$0x0], $0xffff;
	_ =	sdelay $0x1  }
0x116: {  	v10 =	vsub.f32 v10, v11  }
0x117: {  	v57 =	vsub.f32 v12, v13  }
0x118: {  	v9 =	vmul.f32 v10, v9  }
0x119: {  	v8 =	vmul.f32 v57, v8  }
0x11a: {  	(xrf2) =	vadd.scan.msk.f32 $0xffff, v9  }
0x11b: {  	(xrf2) =	vadd.scan.msk.f32 $0xffff, v8;
	_ =	sdelay $0x8  }
0x11c: {  	v58, _, _ =	vpop (xrf2)  }
0x11d: {  	(v2sf) =	vpush v58, $0xF;
	v59, _, _ =	vpop (xrf2)  }
0x11e: {  	(v2sf) =	vpush v59, $0xF  }
0x11f: {  	(v2sf) =	vpush v5, $0x3  }
0x120: {  	(v2sf) =	vpush v6, $0x3  }
0x121: {  	(v2sf) =	vpush v7, $0x3;
	_ =	sdelay $0x9  }
0x122: {  	s29 =	sshllo.u32 s22, $0x2  }
0x123: {  	v5 =	vmov s29;
	s28 =	spop (v2sf)  }
0x124: {  	v5 =	vshll.u32 v5, $0xA;
	s22 =	spop (v2sf)  }
0x125: {  	v6 =	vor.u32 v1, v5;
	s30 =	spop (v2sf)  }
0x126: {  	v6 =	vor.u32 v4, v6;
	s29 =	sand.u32 $0x7F, s30;
	s31 =	spop (v2sf)  }
0x127: {  	s30 =	sand.u32 $0x7F, s31;
	s31 =	spop (v2sf);
	v7 =	vor.u32 s29, v6  }
0x128: {  	v5 =	vor.u32 v3, v5;
	s31 =	sand.u32 $0x7F, s31;
	v60 =	vor.u32 s30, v6  }
0x129: {  	v5 =	vor.u32 v4, v5;
	v6 =	vor.u32 s31, v6  }
0x12a: {  	v61 =	vor.u32 s30, v5  }
0x12b: {  	v62 =	vor.u32 s31, v5  }
0x12c: {  	v7 =	vld.idx.msk [tilespmem:v7+s15+$0x0], $0xffff  }
0x12d: {  	v5 =	vor.u32 s29, v5;
	v8 =	vld.idx.msk [tilespmem:v60+s16+$0x0], $0xffff  }
0x12e: {  	v6 =	vld.idx.msk [tilespmem:v6+s17+$0x0], $0xffff  }
0x12f: {  	v9 =	vld.idx.msk [tilespmem:v61+s16+$0x0], $0xffff  }
0x130: {  	v10 =	vld.idx.msk [tilespmem:v62+s17+$0x0], $0xffff;
	_ =	sdelay $0x1  }
0x131: {  	v5 =	vld.idx.msk [tilespmem:v5+s15+$0x0], $0xffff  }
0x132: {  	v6 =	vsub.f32 v8, v6;
	_ =	sdelay $0x1  }
0x133: {  	v6 =	vmul.f32 v6, v7;
	v7 =	vsub.f32 v9, v10;
	_ =	sdelay $0x1  }
0x134: {  	(xrf2) =	vadd.scan.msk.f32 $0xffff, v6;
	v5 =	vmul.f32 v7, v5;
	_ =	sdelay $0x1  }
0x135: {  	(xrf2) =	vadd.scan.msk.f32 $0xffff, v5;
	_ =	sdelay $0x7  }
0x136: {  	v5, _, _ =	vpop (xrf2)  }
0x137: {  	(v2sf) =	vpush v5, $0xF  }
0x138: {  	v5, _, _ =	vpop (xrf2)  }
0x139: {  	(v2sf) =	vpush v5, $0xF;
	_ =	sdelay $0x6  }
0x13a: {  	s23 =	sadd.f32 $0.0e+00, s23;
	_ =	sdelay $0x1  }
0x13b: {  	s23 =	sadd.f32 s24, s23  }
0x13c: {  	s29 =	sadd.f32 $0.0e+00, s26  }
0x13d: {  	s28 =	sadd.f32 $0.0e+00, s28;
	s26 =	sand.u32 $0xC, s21  }
0x13e: {  	s30 =	sor.u32 $0x1, s26;
	s24 =	sadd.f32 s25, s29;
	v5 =	vmov s26  }
0x13f: {  	s22 =	sadd.f32 s22, s28;
	vm0 =	veq.s32 v5, v0;
	v5 =	vmov s30;
	s31 =	spop (v2sf)  }
0x140: {  	s25 =	sor.u32 $0x2, s26;
	v6 =	vmov s23;
	vm1 =	veq.s32 v5, v0;
	v5 =	vmov s24;
	s28 =	sadd.f32 $0.0e+00, s31  }
0x141: {  	v7 =	vmov s25;
	v6 =	vnsel vm0, $0x0, v6;
	v5 =	vnsel vm1, $0x0, v5;
	s29 =	spop (v2sf)  }
0x142: {  	s21 =	sand.u32 $0x1FFFFFF0, s21;
	vm14 =	veq.s32 v7, v0;
	v5 =	vadd.f32 v5, v6;
	v6 =	vmov s22;
	s31 =	sor.u32 $0x3, s26;
	s30 =	sadd.f32 s29, s28  }
0x143: {  	v63 =	vld [tilespmem:s21+$0x18780];
	v6 =	vnsel vm14, $0x0, v6;
	v7 =	vmov s31  }
0x144: {  	v5 =	vadd.f32 v6, v5;
	vm15 =	veq.s32 v7, v0;
	v6 =	vmov s30  }
0x145: {  	v6 =	vnsel vm15, $0x0, v6  }
.Ltmp7:
0x146: {  	v5 =	vadd.f32 v6, v5;
	(pc) =	sbr.rel .LBB2_7-.Ltmp7, $3  }
0x147: {  	_ = 	snop  }
0x148: {  	v5 =	vadd.f32 v5, v63;
	_ =	sdelay $0x1  }
0x149: {  	[tilespmem:s21+$0x18780] =	vst v5  }
.LBB2_9:
0x14a: {  	_ =	sfence.sel $0x180000  }
0x14b: {  	[bflag:$0x0] =	sbarrier.arrive $0xFFFF  }
0x14c: {  	p0 =	sne.s32 s1, $0x0;
	_ =	strace $0x90000047  }
0x14d: {  	s0 =	sadd.s32 @!p0 $0x100000, s0;
	[bflag:$0x2] =	sbarrier.arrive $0xFFFF  }
0x14e: {  	[sflag:s0] =	ssyncadd.tile.s32 @!p0 $0x1;
	_ =	shalt  }
.Lfunc_end2:
_tile_overlayer_lowered:
.L_overlay_start_2:
0x14f: {  	(tag) =	ssettag $0x2  }
0x150: {  	s0 =	rddreg [dreg:$0x0];
	s2 =	stileid.u32  }
0x151: {  	s1 =	rddreg [dreg:$0x1];
	p0 =	sne.s32 s2, $0x0  }
0x152: {  	s3 =	rddreg [dreg:$0x2];
	[bflag:$0x3] =	sbarrier.arrive $0xFFFF;
	s2 =	simm.s32 @!p0 $0x1C03  }
0x153: {  	[timem:s3], [sflag:s2] =	dma.local @!p0 [hbm:s0], s1  }
0x154: {  	s0 =	simm.s32 @!p0 $0x3  }
0x155: {  	_ =	swait.ge @!p0 [sflag:s0], s1  }
0x156: {  	s1 =	ssub.s32 @!p0 $0x0, s1;
	[sflag:s0] =	ssyncset.done @!p0 $0x0  }
0x157: {  	[sflag:s0] =	ssyncadd.s32 @!p0 s1  }
0x158: {  	[bflag:$0x3] =	sbarrier.arrive $0xFFFF  }
0x159: {  	_ =	shalt  }

</sc_bundles>
